<compile_context>
chip_gen: v7x
topology: tpu7x:2x2x1
jax: 0.10.2.dev20260603
libtpu: 0.0.44.dev20260713+nightly
codegen_flags: <defaults>
</compile_context>

<pallas_src>
import jax
import jax.numpy as jnp
from jax import lax
from jax.experimental import pallas as pl
from jax.experimental.pallas import tpu as pltpu
from jax.experimental.pallas import tpu_sc as plsc

S, H = 2048, 1024
NH, NKV, HD = 16, 4, 64
E, K, F = 64, 2, 1024
C = 80
EC = E * C
BQ = 512
NQ = S // BQ
SCALE = 1.0 / (HD ** 0.5)

NC, NS = 2, 16
NW = NC * NS

_f32 = jnp.float32
_i32 = jnp.int32


def _ln_qkv_body(x_ref, w_ref, g_ref, b_ref, o_ref):
    x = x_ref[...]
    mu = jnp.mean(x, axis=1, keepdims=True)
    xc = x - mu
    var = jnp.mean(xc * xc, axis=1, keepdims=True)
    ln = xc * lax.rsqrt(var + 1e-5) * g_ref[...] + b_ref[...]
    qkv = lax.dot_general(ln.astype(jnp.bfloat16), w_ref[...],
                          (((1,), (1,)), ((), ())),
                          preferred_element_type=_f32).astype(jnp.bfloat16)
    o_ref[...] = qkv.reshape(BQ, NH + 2 * NKV, HD).transpose(1, 0, 2)


def _ln_qkv(x, w, g, b):
    return pl.pallas_call(
        _ln_qkv_body,
        grid=(NQ,),
        in_specs=[
            pl.BlockSpec((BQ, H), lambda i: (i, 0)),
            pl.BlockSpec(((NH + 2 * NKV) * HD, H), lambda i: (0, 0)),
            pl.BlockSpec((1, H), lambda i: (0, 0)),
            pl.BlockSpec((1, H), lambda i: (0, 0)),
        ],
        out_specs=pl.BlockSpec((NH + 2 * NKV, BQ, HD), lambda i: (0, i, 0)),
        out_shape=jax.ShapeDtypeStruct((NH + 2 * NKV, S, HD), jnp.bfloat16),
    )(x, w, g, b)


_GQ = NH // NKV
_QR = _GQ * BQ


def _attn_body(q_ref, k_ref, v_ref, o_ref):
    i = pl.program_id(1)
    q = q_ref[...].reshape(_QR, HD) * jnp.bfloat16(SCALE)

    def tile(j, masked):
        kc = k_ref[0, pl.ds(j * BQ, BQ), :]
        vc = v_ref[0, pl.ds(j * BQ, BQ), :]
        s = lax.dot_general(q, kc, (((1,), (1,)), ((), ())),
                            preferred_element_type=_f32)
        if masked:
            tok_r = (lax.broadcasted_iota(_i32, (_QR, BQ), 0) & (BQ - 1))
            col = lax.broadcasted_iota(_i32, (_QR, BQ), 1)
            s = jnp.where(tok_r >= col, s, -jnp.inf)
        p = jnp.exp(s)
        l = jnp.sum(p, axis=1, keepdims=True)
        acc = lax.dot_general(p.astype(jnp.bfloat16), vc,
                              (((1,), (0,)), ((), ())),
                              preferred_element_type=_f32)
        return l, acc

    def step(j, carry):
        l, acc = carry
        lj, aj = tile(j, False)
        return l + lj, acc + aj

    init = (jnp.zeros((_QR, 1), _f32), jnp.zeros((_QR, HD), _f32))
    l, acc = lax.fori_loop(0, i, step, init)
    ld, ad = tile(i, True)
    l, acc = l + ld, acc + ad
    out = (acc / l).astype(jnp.bfloat16)
    o_ref[...] = out.reshape(_GQ, BQ, HD).transpose(1, 0, 2).reshape(BQ, _GQ * HD)


def _attention(qkv3):
    return pl.pallas_call(
        _attn_body,
        grid=(NKV, NQ),
        in_specs=[
            pl.BlockSpec((_GQ, BQ, HD), lambda g, i: (g, i, 0)),
            pl.BlockSpec((1, S, HD), lambda g, i: (NH + g, 0, 0)),
            pl.BlockSpec((1, S, HD), lambda g, i: (NH + NKV + g, 0, 0)),
        ],
        out_specs=pl.BlockSpec((BQ, _GQ * HD), lambda g, i: (i, g)),
        out_shape=jax.ShapeDtypeStruct((S, NH * HD), jnp.bfloat16),
    )(qkv3, qkv3, qkv3)


def _proj_ln2_body(a_ref, pw_ref, hid_ref, g_ref, b_ref, rw_ref,
                   h_ref, ln_ref, scat_ref, comb_ref, pv_ref,
                   lt_ref, ib_ref, vb_ref):
    i = pl.program_id(0)
    a = a_ref[...]
    pr = lax.dot_general(a, pw_ref[...], (((1,), (1,)), ((), ())),
                         preferred_element_type=_f32)
    hnew = hid_ref[...] + pr
    h_ref[...] = hnew
    mu = jnp.mean(hnew, axis=1, keepdims=True)
    xc = hnew - mu
    var = jnp.mean(xc * xc, axis=1, keepdims=True)
    ln = xc * lax.rsqrt(var + 1e-5) * g_ref[...] + b_ref[...]
    ln_ref[...] = ln
    lt_ref[:, pl.ds(i * BQ, BQ)] = lax.dot_general(
        rw_ref[...], ln, (((1,), (1,)), ((), ())), preferred_element_type=_f32)

    @pl.when(i == NQ - 1)
    def _routing():
        lt = lt_ref[...]
        m = jnp.max(lt, axis=0, keepdims=True)
        ex = jnp.exp(lt - m)
        p = ex / jnp.sum(ex, axis=0, keepdims=True)
        ioe = lax.broadcasted_iota(_i32, (E, S), 0)
        v0 = jnp.max(p, axis=0, keepdims=True)
        i0 = jnp.min(jnp.where(p == v0, ioe, E), axis=0, keepdims=True)
        pm = jnp.where(ioe == i0, -1.0, p)
        v1 = jnp.max(pm, axis=0, keepdims=True)
        i1 = jnp.min(jnp.where(pm == v1, ioe, E), axis=0, keepdims=True)

        ib_ref[...] = jnp.concatenate([i0, i1], axis=0)
        vb_ref[...] = jnp.concatenate([v0, v1], axis=0)

        ioe_b = lax.broadcasted_iota(_i32, (E, _TB), 0)
        r = lax.broadcasted_iota(_i32, (_TB, _TB), 0)
        c = lax.broadcasted_iota(_i32, (_TB, _TB), 1)
        tri = (r <= c).astype(_f32)

        def body(bi, carry):
            kk = bi // _NTB
            tb = (bi % _NTB) * _TB
            ii = ib_ref[pl.ds(kk, 1), pl.ds(tb, _TB)]
            vv = vb_ref[pl.ds(kk, 1), pl.ds(tb, _TB)]
            oh = (ioe_b == ii).astype(_f32)
            incl = carry + lax.dot_general(oh, tri, (((1,), (0,)), ((), ())),
                                           preferred_element_type=_f32)
            pos = (jnp.sum(incl * oh, axis=0, keepdims=True) - 1.0).astype(_i32)
            keep = pos < C
            slot = ii * C + jnp.where(keep, pos, 0)
            scat_ref[pl.ds(kk, 1), pl.ds(tb, _TB)] = jnp.where(keep, slot, EC)
            comb_ref[pl.ds(kk, 1), pl.ds(tb, _TB)] = jnp.where(keep, slot, 0)
            pv_ref[pl.ds(kk, 1), pl.ds(tb, _TB)] = jnp.where(keep, vv, 0.0)
            return incl[:, _TB - 1:_TB]

        lax.fori_loop(0, 2 * _NTB, body, jnp.zeros((E, 1), _f32))


def _proj_ln2(attn_out, pw, hidden, g, b, rw):
    return pl.pallas_call(
        _proj_ln2_body,
        grid=(NQ,),
        in_specs=[
            pl.BlockSpec((BQ, NH * HD), lambda i: (i, 0)),
            pl.BlockSpec((H, NH * HD), lambda i: (0, 0)),
            pl.BlockSpec((BQ, H), lambda i: (i, 0)),
            pl.BlockSpec((1, H), lambda i: (0, 0)),
            pl.BlockSpec((1, H), lambda i: (0, 0)),
            pl.BlockSpec((E, H), lambda i: (0, 0)),
        ],
        out_specs=[
            pl.BlockSpec((BQ, H), lambda i: (i, 0)),
            pl.BlockSpec((BQ, H), lambda i: (i, 0)),
            pl.BlockSpec((2, S), lambda i: (0, 0)),
            pl.BlockSpec((2, S), lambda i: (0, 0)),
            pl.BlockSpec((2, S), lambda i: (0, 0)),
        ],
        out_shape=[
            jax.ShapeDtypeStruct((S, H), _f32),
            jax.ShapeDtypeStruct((S, H), _f32),
            jax.ShapeDtypeStruct((2, S), _i32),
            jax.ShapeDtypeStruct((2, S), _i32),
            jax.ShapeDtypeStruct((2, S), _f32),
        ],
        scratch_shapes=[
            pltpu.VMEM((E, S), _f32),
            pltpu.VMEM((2, S), _i32),
            pltpu.VMEM((2, S), _f32),
        ],
    )(attn_out, pw, hidden, g, b, rw)


_TB = 256
_NTB = S // _TB


_DISP_ROWS = EC + 80
_APW = (K * S) // NW
_SCH = 64


def _dispatch_body(scat_hbm, x_hbm, disp_hbm, scat_v, xb, sem):
    wid = lax.axis_index("s") * NC + lax.axis_index("c")
    pltpu.sync_copy(scat_hbm.at[pl.ds(wid * (_APW // _SCH), _APW // _SCH)],
                    scat_v)
    for j in range(_APW // _SCH):
        a0 = wid * _APW + j * _SCH
        tok0 = lax.rem(a0, S)
        pltpu.sync_copy(x_hbm.at[pl.ds(tok0, _SCH)], xb)
        pltpu.async_copy(xb, disp_hbm.at[scat_v.at[j]], sem).wait()


def _dispatch(scat2, x):
    mesh = plsc.VectorSubcoreMesh(core_axis_name="c", subcore_axis_name="s",
                                  num_cores=NC, num_subcores=NS)
    fn = pl.kernel(
        _dispatch_body,
        out_type=jax.ShapeDtypeStruct((_DISP_ROWS, H), _f32),
        mesh=mesh,
        compiler_params=pltpu.CompilerParams(needs_layout_passes=False),
        scratch_types=[
            pltpu.VMEM((_APW // _SCH, _SCH), _i32),
            pltpu.VMEM((_SCH, H), _f32),
            pltpu.SemaphoreType.DMA,
        ],
    )
    return fn(scat2, x)


def _ffn_body(d_ref, w1_ref, w2_ref, o_ref):
    d = d_ref[...]
    h1 = lax.dot_general(d, w1_ref[0], (((1,), (1,)), ((), ())),
                         preferred_element_type=_f32)
    act = h1 * jax.nn.sigmoid(h1)
    o_ref[...] = lax.dot_general(act, w2_ref[0], (((1,), (1,)), ((), ())),
                                 preferred_element_type=_f32)


def _ffn(disp, w1, w2):
    return pl.pallas_call(
        _ffn_body,
        grid=(E,),
        in_specs=[
            pl.BlockSpec((C, H), lambda e: (e, 0)),
            pl.BlockSpec((1, F, H), lambda e: (e, 0, 0)),
            pl.BlockSpec((1, H, F), lambda e: (e, 0, 0)),
        ],
        out_specs=pl.BlockSpec((C, H), lambda e: (e, 0)),
        out_shape=jax.ShapeDtypeStruct((EC, H), _f32),
    )(disp, w1, w2)


_TOK_PER_W = S // NW
_CCH = 32


def _combine_body(comb_hbm, pv_hbm, h2_hbm, hid_hbm, out_hbm,
                  s0v, s1v, p0v, p1v, g0, g1, ob, sem0, sem1, semo):
    wid = lax.axis_index("s") * NC + lax.axis_index("c")
    tok_base = wid * _TOK_PER_W
    for ci in range(_TOK_PER_W // _CCH):
        tb = tok_base + ci * _CCH
        pltpu.sync_copy(comb_hbm.at[0, pl.ds(tb, _CCH)], s0v)
        pltpu.sync_copy(comb_hbm.at[1, pl.ds(tb, _CCH)], s1v)
        pltpu.sync_copy(pv_hbm.at[0, pl.ds(tb, _CCH)], p0v)
        pltpu.sync_copy(pv_hbm.at[1, pl.ds(tb, _CCH)], p1v)
        pltpu.sync_copy(hid_hbm.at[pl.ds(tb, _CCH)], ob)
        cp0 = pltpu.async_copy(h2_hbm.at[s0v], g0, sem0)
        cp1 = pltpu.async_copy(h2_hbm.at[s1v], g1, sem1)
        cp0.wait()
        cp1.wait()

        def tok(t, _):
            pb0 = plsc.load_gather(p0v, [jnp.full((16,), t, _i32)])
            pb1 = plsc.load_gather(p1v, [jnp.full((16,), t, _i32)])
            m0 = pb0 > 0.0
            m1 = pb1 > 0.0
            z = jnp.zeros((16,), _f32)

            @plsc.parallel_loop(0, H // 16, unroll=4)
            def chunk(d):
                sl = pl.ds(d * 16, 16)
                a0 = jnp.where(m0, pb0 * g0[t, sl], z)
                a1 = jnp.where(m1, pb1 * g1[t, sl], z)
                ob[t, sl] = ob[t, sl] + a0 + a1

            return 0

        lax.fori_loop(0, _CCH, tok, 0)
        pltpu.async_copy(ob, out_hbm.at[pl.ds(tb, _CCH)], semo).wait()


def _combine(comb, pv, h2, hid):
    mesh = plsc.VectorSubcoreMesh(core_axis_name="c", subcore_axis_name="s",
                                  num_cores=NC, num_subcores=NS)
    fn = pl.kernel(
        _combine_body,
        out_type=jax.ShapeDtypeStruct((S, H), _f32),
        mesh=mesh,
        compiler_params=pltpu.CompilerParams(needs_layout_passes=False),
        scratch_types=[
            pltpu.VMEM((_CCH,), _i32),
            pltpu.VMEM((_CCH,), _i32),
            pltpu.VMEM((_CCH,), _f32),
            pltpu.VMEM((_CCH,), _f32),
            pltpu.VMEM((_CCH, H), _f32),
            pltpu.VMEM((_CCH, H), _f32),
            pltpu.VMEM((_CCH, H), _f32),
            pltpu.SemaphoreType.DMA,
            pltpu.SemaphoreType.DMA,
            pltpu.SemaphoreType.DMA,
        ],
    )
    return fn(comb, pv, h2, hid)


def kernel(hidden_states, ln1_weight, ln1_bias, ln2_weight, ln2_bias,
           qkv_weight, proj_weight, router_weight, moe_w1, moe_w2):
    x = hidden_states.reshape(S, H)
    qkv3 = _ln_qkv(x, qkv_weight.astype(jnp.bfloat16),
                   ln1_weight.reshape(1, H), ln1_bias.reshape(1, H))
    attn_out = _attention(qkv3)
    h_after, ln2_out, scat, comb, pv = _proj_ln2(
        attn_out, proj_weight.astype(jnp.bfloat16), x, ln2_weight.reshape(1, H),
        ln2_bias.reshape(1, H), router_weight)
    disp = _dispatch(scat.reshape((K * S) // _SCH, _SCH), ln2_out)
    h2 = _ffn(disp, moe_w1, moe_w2)
    out = _combine(comb, pv, h2, h_after)
    return out.reshape(S, 1, H)

# --- scband reference (transcript-rebuilt; emitter-appended) ---
"""Pipeline reference for scband-transformer-layer-44117904064967 (READ-ONLY COPY).

The authoritative reference and input builder live on the scoring server;
editing this copy changes nothing except your own understanding.
"""

import jax, jax.numpy as jnp
import numpy as np

S, B, H = 2048, 1, 1024
NH, NKV, HD = 16, 4, 64
E, K, F = 64, 2, 1024
CF = 1.25


def setup_inputs(seed: int = 0) -> dict:
    key = jax.random.key(seed)
    ks = jax.random.split(key, 8)
    hidden_states = jax.random.normal(ks[0], (S, B, H), dtype=jnp.float32)
    ln1_weight = jnp.ones((H,), jnp.float32)
    ln1_bias = jnp.zeros((H,), jnp.float32)
    ln2_weight = jnp.ones((H,), jnp.float32)
    ln2_bias = jnp.zeros((H,), jnp.float32)
    qkv_weight = jax.random.normal(ks[1], ((NH + 2 * NKV) * HD, H), jnp.float32) * 0.02
    proj_weight = jax.random.normal(ks[2], (H, NH * HD), jnp.float32) * 0.02
    router_weight = jax.random.normal(ks[3], (E, H), jnp.float32) * 0.02
    moe_w1 = jax.random.normal(ks[4], (E, F, H), jnp.float32) * 0.02
    moe_w2 = jax.random.normal(ks[5], (E, H, F), jnp.float32) * 0.02
    return {
        'hidden_states': hidden_states,
        'ln1_weight': ln1_weight, 'ln1_bias': ln1_bias,
        'ln2_weight': ln2_weight, 'ln2_bias': ln2_bias,
        'qkv_weight': qkv_weight, 'proj_weight': proj_weight,
        'router_weight': router_weight, 'moe_w1': moe_w1, 'moe_w2': moe_w2,
    }


def _layernorm(x, w, b):
    mu = jnp.mean(x, axis=-1, keepdims=True)
    var = jnp.mean((x - mu) ** 2, axis=-1, keepdims=True)
    return (x - mu) * jax.lax.rsqrt(var + 1e-5) * w + b


def reference(hidden_states, ln1_weight, ln1_bias, ln2_weight, ln2_bias,
              qkv_weight, proj_weight, router_weight, moe_w1, moe_w2):
    S_, B_, H_ = hidden_states.shape
    # LN1 -> fused QKV projection
    ln1_out = _layernorm(hidden_states, ln1_weight, ln1_bias)
    qkv = ln1_out @ qkv_weight.T  # [S, B, (NH + 2*NKV)*HD]
    q = qkv[..., : NH * HD].reshape(S_, B_, NH, HD)
    k = qkv[..., NH * HD: NH * HD + NKV * HD].reshape(S_, B_, NKV, HD)
    v = qkv[..., NH * HD + NKV * HD:].reshape(S_, B_, NKV, HD)
    q = q.transpose(1, 2, 0, 3)  # [B, NH, S, HD]
    k = k.transpose(1, 2, 0, 3)
    v = v.transpose(1, 2, 0, 3)
    # GQA: expand kv heads
    rep = NH // NKV
    k = jnp.repeat(k, rep, axis=1)
    v = jnp.repeat(v, rep, axis=1)
    scale = 1.0 / np.sqrt(HD)
    scores = jnp.einsum('bhqd,bhkd->bhqk', q, k) * scale
    causal = jnp.tril(jnp.ones((S_, S_), dtype=bool))
    scores = jnp.where(causal[None, None], scores, -1e9)
    attn = jax.nn.softmax(scores, axis=-1)
    attn_out = jnp.einsum('bhqk,bhkd->bhqd', attn, v)
    attn_out = attn_out.transpose(2, 0, 1, 3).reshape(S_, B_, NH * HD)
    proj_out = attn_out @ proj_weight.T
    hidden_after_attn = hidden_states + proj_out
    # LN2 -> MoE
    ln2_out = _layernorm(hidden_after_attn, ln2_weight, ln2_bias)
    x = ln2_out.reshape(-1, H_)
    T = x.shape[0]
    logits = x @ router_weight.T
    probs = jax.nn.softmax(logits, axis=-1)
    top_probs, top_idx = jax.lax.top_k(probs, K)  # [T, K]
    # capacity-padded dispatch (capacity_factor > 0 branch)
    C = int(np.ceil(T * K / E * CF))
    flat_expert = top_idx.T.reshape(-1)  # [K*T], slot-major priority
    flat_prob = top_probs.T.reshape(-1)
    tok_idx = jnp.tile(jnp.arange(T), K)
    oh = jax.nn.one_hot(flat_expert, E, dtype=jnp.int32)
    pos = jnp.cumsum(oh, axis=0) - 1
    pos_sel = jnp.take_along_axis(pos, flat_expert[:, None], axis=1)[:, 0]
    keep = pos_sel < C
    pos_c = jnp.clip(pos_sel, 0, C - 1)
    disp = jnp.zeros((E, C, H_), x.dtype).at[flat_expert, pos_c].add(
        jnp.where(keep[:, None], x[tok_idx], 0.0))
    # expert FFN (fc1 -> silu -> fc2)
    h1 = jnp.einsum('ech,efh->ecf', disp, moe_w1)
    act = jax.nn.silu(h1)
    h2 = jnp.einsum('ecf,ehf->ech', act, moe_w2)
    # combine: gather back and weight by router probs, scatter-add per token
    gathered = h2[flat_expert, pos_c]
    gathered = jnp.where(keep[:, None], gathered, 0.0) * flat_prob[:, None]
    moe_out = jnp.zeros((T, H_), x.dtype).at[tok_idx].add(gathered)
    return hidden_after_attn + moe_out.reshape(S_, B_, H_)

if __name__ == "__main__":
    import jax
    _d = setup_inputs()
    print(jax.jit(kernel)(*tuple(_d.values())))

</pallas_src>

<mosaic_0001>
#map = affine_map<(d0, d1) -> (0, 0)>
module attributes {stable_mosaic.version = 14 : i64} {
  func.func @_combine_body(%arg0: i32, %arg1: i32, %arg2: memref<2x2048xi32, #tpu.memory_space<hbm>>, %arg3: memref<2x2048xf32, #tpu.memory_space<hbm>>, %arg4: memref<5120x1024xf32, #tpu.memory_space<hbm>>, %arg5: memref<2048x1024xf32, #tpu.memory_space<hbm>>, %arg6: memref<2048x1024xf32, #tpu.memory_space<hbm>>, %arg7: memref<32xi32, #tpu.memory_space<vmem>>, %arg8: memref<32xi32, #tpu.memory_space<vmem>>, %arg9: memref<32xf32, #tpu.memory_space<vmem>>, %arg10: memref<32xf32, #tpu.memory_space<vmem>>, %arg11: memref<32x1024xf32, #tpu.memory_space<vmem>>, %arg12: memref<32x1024xf32, #tpu.memory_space<vmem>>, %arg13: memref<32x1024xf32, #tpu.memory_space<vmem>>, %arg14: memref<!tpu.dma_semaphore, #tpu.memory_space<semaphore_mem>>, %arg15: memref<!tpu.dma_semaphore, #tpu.memory_space<semaphore_mem>>, %arg16: memref<!tpu.dma_semaphore, #tpu.memory_space<semaphore_mem>>) attributes {dimension_semantics = [#tpu.dimension_semantics<core_parallel>, #tpu.dimension_semantics<subcore_parallel>], iteration_bounds = array<i64: 2, 16>, scalar_prefetch = 0 : i64, scratch_operands = 10 : i64, tpu.core_type = #tpu.core_type<sc_vector_subcore>, window_params = [{transform_indices = #map}, {transform_indices = #map}, {transform_indices = #map}, {transform_indices = #map}, {transform_indices = #map}]} {
    %mul3A = arith.constant 2 : i32
    %mul3A_0 = arith.muli %arg1, %mul3A : i32
    %add3A = arith.addi %mul3A_0, %arg0 : i32
    %mul3A_1 = arith.constant 64 : i32
    %mul3A_2 = arith.muli %add3A, %mul3A_1 : i32
    %add3A_3 = arith.constant 0 : i32
    %add3A_4 = arith.addi %mul3A_2, %add3A_3 : i32
    %run_scoped3A = arith.constant 0 : i32
    "tpu.region"() ({
      %run_scoped3A_65 = tpu.sem_alloc : memref<!tpu.dma_semaphore, #tpu.memory_space<semaphore_mem>>
      %dma_start3A_66 = tpu.memref_slice %arg2[%run_scoped3A, %add3A_4] : memref<2x2048xi32, #tpu.memory_space<hbm>> -> memref<1x32xi32, #tpu.memory_space<hbm>>
      %dma_start3A_67 = tpu.memref_squeeze %dma_start3A_66 : memref<1x32xi32, #tpu.memory_space<hbm>> -> memref<32xi32, #tpu.memory_space<hbm>>
      %dma_start3A_68 = tpu.memref_slice %arg2[%run_scoped3A, %add3A_4] : memref<2x2048xi32, #tpu.memory_space<hbm>> -> memref<1x32xi32, #tpu.memory_space<hbm>>
      %dma_start3A_69 = tpu.memref_squeeze %dma_start3A_68 : memref<1x32xi32, #tpu.memory_space<hbm>> -> memref<32xi32, #tpu.memory_space<hbm>>
      tpu.enqueue_dma source(%dma_start3A_69 : memref<32xi32, #tpu.memory_space<hbm>>) target(%arg7 : memref<32xi32, #tpu.memory_space<vmem>>) target_semaphore(%run_scoped3A_65 : memref<!tpu.dma_semaphore, #tpu.memory_space<semaphore_mem>>)
      %dma_wait3A_70 = tpu.memref_slice %arg2[%run_scoped3A, %add3A_4] : memref<2x2048xi32, #tpu.memory_space<hbm>> -> memref<1x32xi32, #tpu.memory_space<hbm>>
      %dma_wait3A_71 = tpu.memref_squeeze %dma_wait3A_70 : memref<1x32xi32, #tpu.memory_space<hbm>> -> memref<32xi32, #tpu.memory_space<hbm>>
      %dma_wait3A_72 = tpu.memref_slice %arg2[%run_scoped3A, %add3A_4] : memref<2x2048xi32, #tpu.memory_space<hbm>> -> memref<1x32xi32, #tpu.memory_space<hbm>>
      %dma_wait3A_73 = tpu.memref_squeeze %dma_wait3A_72 : memref<1x32xi32, #tpu.memory_space<hbm>> -> memref<32xi32, #tpu.memory_space<hbm>>
      tpu.wait_dma2 semaphore(%run_scoped3A_65 : memref<!tpu.dma_semaphore, #tpu.memory_space<semaphore_mem>>) src(%dma_wait3A_73 : memref<32xi32, #tpu.memory_space<hbm>>) dst(%arg7 : memref<32xi32, #tpu.memory_space<vmem>>)
      tpu.yield
    }) : () -> ()
    %run_scoped3A_5 = arith.constant 1 : i32
    "tpu.region"() ({
      %run_scoped3A_65 = tpu.sem_alloc : memref<!tpu.dma_semaphore, #tpu.memory_space<semaphore_mem>>
      %dma_start3A_66 = tpu.memref_slice %arg2[%run_scoped3A_5, %add3A_4] : memref<2x2048xi32, #tpu.memory_space<hbm>> -> memref<1x32xi32, #tpu.memory_space<hbm>>
      %dma_start3A_67 = tpu.memref_squeeze %dma_start3A_66 : memref<1x32xi32, #tpu.memory_space<hbm>> -> memref<32xi32, #tpu.memory_space<hbm>>
      %dma_start3A_68 = tpu.memref_slice %arg2[%run_scoped3A_5, %add3A_4] : memref<2x2048xi32, #tpu.memory_space<hbm>> -> memref<1x32xi32, #tpu.memory_space<hbm>>
      %dma_start3A_69 = tpu.memref_squeeze %dma_start3A_68 : memref<1x32xi32, #tpu.memory_space<hbm>> -> memref<32xi32, #tpu.memory_space<hbm>>
      tpu.enqueue_dma source(%dma_start3A_69 : memref<32xi32, #tpu.memory_space<hbm>>) target(%arg8 : memref<32xi32, #tpu.memory_space<vmem>>) target_semaphore(%run_scoped3A_65 : memref<!tpu.dma_semaphore, #tpu.memory_space<semaphore_mem>>)
      %dma_wait3A_70 = tpu.memref_slice %arg2[%run_scoped3A_5, %add3A_4] : memref<2x2048xi32, #tpu.memory_space<hbm>> -> memref<1x32xi32, #tpu.memory_space<hbm>>
      %dma_wait3A_71 = tpu.memref_squeeze %dma_wait3A_70 : memref<1x32xi32, #tpu.memory_space<hbm>> -> memref<32xi32, #tpu.memory_space<hbm>>
      %dma_wait3A_72 = tpu.memref_slice %arg2[%run_scoped3A_5, %add3A_4] : memref<2x2048xi32, #tpu.memory_space<hbm>> -> memref<1x32xi32, #tpu.memory_space<hbm>>
      %dma_wait3A_73 = tpu.memref_squeeze %dma_wait3A_72 : memref<1x32xi32, #tpu.memory_space<hbm>> -> memref<32xi32, #tpu.memory_space<hbm>>
      tpu.wait_dma2 semaphore(%run_scoped3A_65 : memref<!tpu.dma_semaphore, #tpu.memory_space<semaphore_mem>>) src(%dma_wait3A_73 : memref<32xi32, #tpu.memory_space<hbm>>) dst(%arg8 : memref<32xi32, #tpu.memory_space<vmem>>)
      tpu.yield
    }) : () -> ()
    %run_scoped3A_6 = arith.constant 0 : i32
    "tpu.region"() ({
      %run_scoped3A_65 = tpu.sem_alloc : memref<!tpu.dma_semaphore, #tpu.memory_space<semaphore_mem>>
      %dma_start3A_66 = tpu.memref_slice %arg3[%run_scoped3A_6, %add3A_4] : memref<2x2048xf32, #tpu.memory_space<hbm>> -> memref<1x32xf32, #tpu.memory_space<hbm>>
      %dma_start3A_67 = tpu.memref_squeeze %dma_start3A_66 : memref<1x32xf32, #tpu.memory_space<hbm>> -> memref<32xf32, #tpu.memory_space<hbm>>
      %dma_start3A_68 = tpu.memref_slice %arg3[%run_scoped3A_6, %add3A_4] : memref<2x2048xf32, #tpu.memory_space<hbm>> -> memref<1x32xf32, #tpu.memory_space<hbm>>
      %dma_start3A_69 = tpu.memref_squeeze %dma_start3A_68 : memref<1x32xf32, #tpu.memory_space<hbm>> -> memref<32xf32, #tpu.memory_space<hbm>>
      tpu.enqueue_dma source(%dma_start3A_69 : memref<32xf32, #tpu.memory_space<hbm>>) target(%arg9 : memref<32xf32, #tpu.memory_space<vmem>>) target_semaphore(%run_scoped3A_65 : memref<!tpu.dma_semaphore, #tpu.memory_space<semaphore_mem>>)
      %dma_wait3A_70 = tpu.memref_slice %arg3[%run_scoped3A_6, %add3A_4] : memref<2x2048xf32, #tpu.memory_space<hbm>> -> memref<1x32xf32, #tpu.memory_space<hbm>>
      %dma_wait3A_71 = tpu.memref_squeeze %dma_wait3A_70 : memref<1x32xf32, #tpu.memory_space<hbm>> -> memref<32xf32, #tpu.memory_space<hbm>>
      %dma_wait3A_72 = tpu.memref_slice %arg3[%run_scoped3A_6, %add3A_4] : memref<2x2048xf32, #tpu.memory_space<hbm>> -> memref<1x32xf32, #tpu.memory_space<hbm>>
      %dma_wait3A_73 = tpu.memref_squeeze %dma_wait3A_72 : memref<1x32xf32, #tpu.memory_space<hbm>> -> memref<32xf32, #tpu.memory_space<hbm>>
      tpu.wait_dma2 semaphore(%run_scoped3A_65 : memref<!tpu.dma_semaphore, #tpu.memory_space<semaphore_mem>>) src(%dma_wait3A_73 : memref<32xf32, #tpu.memory_space<hbm>>) dst(%arg9 : memref<32xf32, #tpu.memory_space<vmem>>)
      tpu.yield
    }) : () -> ()
    %run_scoped3A_7 = arith.constant 1 : i32
    "tpu.region"() ({
      %run_scoped3A_65 = tpu.sem_alloc : memref<!tpu.dma_semaphore, #tpu.memory_space<semaphore_mem>>
      %dma_start3A_66 = tpu.memref_slice %arg3[%run_scoped3A_7, %add3A_4] : memref<2x2048xf32, #tpu.memory_space<hbm>> -> memref<1x32xf32, #tpu.memory_space<hbm>>
      %dma_start3A_67 = tpu.memref_squeeze %dma_start3A_66 : memref<1x32xf32, #tpu.memory_space<hbm>> -> memref<32xf32, #tpu.memory_space<hbm>>
      %dma_start3A_68 = tpu.memref_slice %arg3[%run_scoped3A_7, %add3A_4] : memref<2x2048xf32, #tpu.memory_space<hbm>> -> memref<1x32xf32, #tpu.memory_space<hbm>>
      %dma_start3A_69 = tpu.memref_squeeze %dma_start3A_68 : memref<1x32xf32, #tpu.memory_space<hbm>> -> memref<32xf32, #tpu.memory_space<hbm>>
      tpu.enqueue_dma source(%dma_start3A_69 : memref<32xf32, #tpu.memory_space<hbm>>) target(%arg10 : memref<32xf32, #tpu.memory_space<vmem>>) target_semaphore(%run_scoped3A_65 : memref<!tpu.dma_semaphore, #tpu.memory_space<semaphore_mem>>)
      %dma_wait3A_70 = tpu.memref_slice %arg3[%run_scoped3A_7, %add3A_4] : memref<2x2048xf32, #tpu.memory_space<hbm>> -> memref<1x32xf32, #tpu.memory_space<hbm>>
      %dma_wait3A_71 = tpu.memref_squeeze %dma_wait3A_70 : memref<1x32xf32, #tpu.memory_space<hbm>> -> memref<32xf32, #tpu.memory_space<hbm>>
      %dma_wait3A_72 = tpu.memref_slice %arg3[%run_scoped3A_7, %add3A_4] : memref<2x2048xf32, #tpu.memory_space<hbm>> -> memref<1x32xf32, #tpu.memory_space<hbm>>
      %dma_wait3A_73 = tpu.memref_squeeze %dma_wait3A_72 : memref<1x32xf32, #tpu.memory_space<hbm>> -> memref<32xf32, #tpu.memory_space<hbm>>
      tpu.wait_dma2 semaphore(%run_scoped3A_65 : memref<!tpu.dma_semaphore, #tpu.memory_space<semaphore_mem>>) src(%dma_wait3A_73 : memref<32xf32, #tpu.memory_space<hbm>>) dst(%arg10 : memref<32xf32, #tpu.memory_space<vmem>>)
      tpu.yield
    }) : () -> ()
    "tpu.region"() ({
      %run_scoped3A_65 = tpu.sem_alloc : memref<!tpu.dma_semaphore, #tpu.memory_space<semaphore_mem>>
      %dma_start3A_66 = arith.constant 0 : i32
      %dma_start3A_67 = tpu.memref_slice %arg5[%add3A_4, %dma_start3A_66] : memref<2048x1024xf32, #tpu.memory_space<hbm>> -> memref<32x1024xf32, #tpu.memory_space<hbm>>
      %dma_start3A_68 = arith.constant 0 : i32
      %dma_start3A_69 = tpu.memref_slice %arg5[%add3A_4, %dma_start3A_68] : memref<2048x1024xf32, #tpu.memory_space<hbm>> -> memref<32x1024xf32, #tpu.memory_space<hbm>>
      tpu.enqueue_dma source(%dma_start3A_69 : memref<32x1024xf32, #tpu.memory_space<hbm>>) target(%arg13 : memref<32x1024xf32, #tpu.memory_space<vmem>>) target_semaphore(%run_scoped3A_65 : memref<!tpu.dma_semaphore, #tpu.memory_space<semaphore_mem>>)
      %dma_wait3A_70 = arith.constant 0 : i32
      %dma_wait3A_71 = tpu.memref_slice %arg5[%add3A_4, %dma_wait3A_70] : memref<2048x1024xf32, #tpu.memory_space<hbm>> -> memref<32x1024xf32, #tpu.memory_space<hbm>>
      %dma_wait3A_72 = arith.constant 0 : i32
      %dma_wait3A_73 = tpu.memref_slice %arg5[%add3A_4, %dma_wait3A_72] : memref<2048x1024xf32, #tpu.memory_space<hbm>> -> memref<32x1024xf32, #tpu.memory_space<hbm>>
      tpu.wait_dma2 semaphore(%run_scoped3A_65 : memref<!tpu.dma_semaphore, #tpu.memory_space<semaphore_mem>>) src(%dma_wait3A_73 : memref<32x1024xf32, #tpu.memory_space<hbm>>) dst(%arg13 : memref<32x1024xf32, #tpu.memory_space<vmem>>)
      tpu.yield
    }) : () -> ()
    %dma_start3A = arith.constant 0 : i32
    %dma_start3A_8 = arith.constant 0 : i32
    %dma_start3A_9 = tpu.memref_slice %arg4[%dma_start3A, %dma_start3A_8] : memref<5120x1024xf32, #tpu.memory_space<hbm>> -> memref<5120x1024xf32, #tpu.memory_space<hbm>>
    tpu.enqueue_indirect_dma source(%dma_start3A_9 : memref<5120x1024xf32, #tpu.memory_space<hbm>>) target(%arg11 : memref<32x1024xf32, #tpu.memory_space<vmem>>) offsets(%arg7 : memref<32xi32, #tpu.memory_space<vmem>>) semaphore(%arg14 : memref<!tpu.dma_semaphore, #tpu.memory_space<semaphore_mem>>)
    %dma_start3A_10 = arith.constant 0 : i32
    %dma_start3A_11 = arith.constant 0 : i32
    %dma_start3A_12 = tpu.memref_slice %arg4[%dma_start3A_10, %dma_start3A_11] : memref<5120x1024xf32, #tpu.memory_space<hbm>> -> memref<5120x1024xf32, #tpu.memory_space<hbm>>
    tpu.enqueue_indirect_dma source(%dma_start3A_12 : memref<5120x1024xf32, #tpu.memory_space<hbm>>) target(%arg12 : memref<32x1024xf32, #tpu.memory_space<vmem>>) offsets(%arg8 : memref<32xi32, #tpu.memory_space<vmem>>) semaphore(%arg15 : memref<!tpu.dma_semaphore, #tpu.memory_space<semaphore_mem>>)
    %dma_wait3A = arith.constant 0 : i32
    %dma_wait3A_13 = arith.constant 0 : i32
    %dma_wait3A_14 = tpu.memref_slice %arg4[%dma_wait3A, %dma_wait3A_13] : memref<5120x1024xf32, #tpu.memory_space<hbm>> -> memref<5120x1024xf32, #tpu.memory_space<hbm>>
    tpu.wait_indirect_dma semaphore(%arg14 : memref<!tpu.dma_semaphore, #tpu.memory_space<semaphore_mem>>) src(%dma_wait3A_14 : memref<5120x1024xf32, #tpu.memory_space<hbm>>) dst(%arg11 : memref<32x1024xf32, #tpu.memory_space<vmem>>)
    %dma_wait3A_15 = arith.constant 0 : i32
    %dma_wait3A_16 = arith.constant 0 : i32
    %dma_wait3A_17 = tpu.memref_slice %arg4[%dma_wait3A_15, %dma_wait3A_16] : memref<5120x1024xf32, #tpu.memory_space<hbm>> -> memref<5120x1024xf32, #tpu.memory_space<hbm>>
    tpu.wait_indirect_dma semaphore(%arg15 : memref<!tpu.dma_semaphore, #tpu.memory_space<semaphore_mem>>) src(%dma_wait3A_17 : memref<5120x1024xf32, #tpu.memory_space<hbm>>) dst(%arg12 : memref<32x1024xf32, #tpu.memory_space<vmem>>)
    %scan3A = arith.constant 0 : i32
    %scan3A_18 = arith.constant 0 : i32
    %scan3A_19 = arith.constant 32 : i32
    %scan3A_20 = arith.addi %scan3A_18, %scan3A_19 : i32
    %scan3A_21 = arith.constant 1 : i32
    %scan3A_22 = scf.for %scan3A_65 = %scan3A_18 to %scan3A_20 step %scan3A_21 iter_args(%scan3A_66 = %scan3A) -> (i32)  : i32 {
      %broadcast_in_dim3A = vector.broadcast %scan3A_65 : i32 to vector<16xi32>
      %gather3A = tpu.vector_load_idx %arg9[%broadcast_in_dim3A] : memref<32xf32, #tpu.memory_space<vmem>>[vector<16xi32>], vector<16xf32>,
      %broadcast_in_dim3A_67 = vector.broadcast %scan3A_65 : i32 to vector<16xi32>
      %gather3A_68 = tpu.vector_load_idx %arg10[%broadcast_in_dim3A_67] : memref<32xf32, #tpu.memory_space<vmem>>[vector<16xi32>], vector<16xf32>,
      %gt3A = arith.constant 0.000000e+00 : f32
      %gt3A_69 = vector.broadcast %gt3A : f32 to vector<16xf32>
      %gt3A_70 = arith.cmpf ogt, %gather3A, %gt3A_69 : vector<16xf32>
      %gt3A_71 = arith.constant 0.000000e+00 : f32
      %gt3A_72 = vector.broadcast %gt3A_71 : f32 to vector<16xf32>
      %gt3A_73 = arith.cmpf ogt, %gather3A_68, %gt3A_72 : vector<16xf32>
      %broadcast_in_dim3A_74 = arith.constant 0.000000e+00 : f32
      %broadcast_in_dim3A_75 = vector.broadcast %broadcast_in_dim3A_74 : f32 to vector<16xf32>
      %parallel_loop3A = arith.constant 0 : i32
      %parallel_loop3A_76 = arith.constant 64 : i32
      %parallel_loop3A_77 = arith.constant 1 : i32
      scf.for %parallel_loop3A_79 = %parallel_loop3A to %parallel_loop3A_76 step %parallel_loop3A_77  : i32 {
        %parallel_loop3A_80 = arith.constant 16 : i32
        %parallel_loop3A_81 = arith.muli %parallel_loop3A_79, %parallel_loop3A_80 : i32
        %parallel_loop3A_82 = arith.index_cast %scan3A_65 : i32 to index
        %parallel_loop3A_83 = arith.index_cast %parallel_loop3A_81 : i32 to index
        %parallel_loop3A_84 = tpu.vector_load %arg11[%parallel_loop3A_82, %parallel_loop3A_83] {strides = array<i32>} : memref<32x1024xf32, #tpu.memory_space<vmem>>, vector<16xf32>,
        %parallel_loop3A_85 = arith.mulf %gather3A, %parallel_loop3A_84 : vector<16xf32>
        %parallel_loop3A_86 = arith.select %gt3A_70, %parallel_loop3A_85, %broadcast_in_dim3A_75 : vector<16xi1>, vector<16xf32>
        %parallel_loop3A_87 = arith.index_cast %scan3A_65 : i32 to index
        %parallel_loop3A_88 = arith.index_cast %parallel_loop3A_81 : i32 to index
        %parallel_loop3A_89 = tpu.vector_load %arg12[%parallel_loop3A_87, %parallel_loop3A_88] {strides = array<i32>} : memref<32x1024xf32, #tpu.memory_space<vmem>>, vector<16xf32>,
        %parallel_loop3A_90 = arith.mulf %gather3A_68, %parallel_loop3A_89 : vector<16xf32>
        %parallel_loop3A_91 = arith.select %gt3A_73, %parallel_loop3A_90, %broadcast_in_dim3A_75 : vector<16xi1>, vector<16xf32>
        %parallel_loop3A_92 = arith.index_cast %scan3A_65 : i32 to index
        %parallel_loop3A_93 = arith.index_cast %parallel_loop3A_81 : i32 to index
        %parallel_loop3A_94 = tpu.vector_load %arg13[%parallel_loop3A_92, %parallel_loop3A_93] {strides = array<i32>} : memref<32x1024xf32, #tpu.memory_space<vmem>>, vector<16xf32>,
        %parallel_loop3A_95 = arith.addf %parallel_loop3A_94, %parallel_loop3A_86 : vector<16xf32>
        %parallel_loop3A_96 = arith.addf %parallel_loop3A_95, %parallel_loop3A_91 : vector<16xf32>
        %parallel_loop3A_97 = arith.index_cast %scan3A_65 : i32 to index
        %parallel_loop3A_98 = arith.index_cast %parallel_loop3A_81 : i32 to index
        %parallel_loop3A_99 = tpu.vector_load %arg13[%parallel_loop3A_97, %parallel_loop3A_98] {strides = array<i32>} : memref<32x1024xf32, #tpu.memory_space<vmem>>, vector<16xf32>,
        tpu.vector_store %arg13[%parallel_loop3A_97, %parallel_loop3A_98], %parallel_loop3A_96 {strides = array<i32>} : memref<32x1024xf32, #tpu.memory_space<vmem>>, vector<16xf32>,
      } {sc.loop_unroll_factor = 4 : i64, sc.parallel_access}
      %scan3A_78 = arith.constant 0 : i32
      scf.yield %scan3A_78 : i32
    }
    %scan3A_23 = arith.constant 32 : i32
    %dma_start3A_24 = arith.constant 0 : i32
    %dma_start3A_25 = tpu.memref_slice %arg6[%add3A_4, %dma_start3A_24] : memref<2048x1024xf32, #tpu.memory_space<hbm>> -> memref<32x1024xf32, #tpu.memory_space<hbm>>
    %dma_start3A_26 = arith.constant 0 : i32
    %dma_start3A_27 = tpu.memref_slice %arg6[%add3A_4, %dma_start3A_26] : memref<2048x1024xf32, #tpu.memory_space<hbm>> -> memref<32x1024xf32, #tpu.memory_space<hbm>>
    tpu.enqueue_dma source(%arg13 : memref<32x1024xf32, #tpu.memory_space<vmem>>) target(%dma_start3A_27 : memref<32x1024xf32, #tpu.memory_space<hbm>>) target_semaphore(%arg16 : memref<!tpu.dma_semaphore, #tpu.memory_space<semaphore_mem>>)
    %dma_wait3A_28 = arith.constant 0 : i32
    %dma_wait3A_29 = tpu.memref_slice %arg6[%add3A_4, %dma_wait3A_28] : memref<2048x1024xf32, #tpu.memory_space<hbm>> -> memref<32x1024xf32, #tpu.memory_space<hbm>>
    %dma_wait3A_30 = arith.constant 0 : i32
    %dma_wait3A_31 = tpu.memref_slice %arg6[%add3A_4, %dma_wait3A_30] : memref<2048x1024xf32, #tpu.memory_space<hbm>> -> memref<32x1024xf32, #tpu.memory_space<hbm>>
    tpu.wait_dma2 semaphore(%arg16 : memref<!tpu.dma_semaphore, #tpu.memory_space<semaphore_mem>>) src(%arg13 : memref<32x1024xf32, #tpu.memory_space<vmem>>) dst(%dma_wait3A_31 : memref<32x1024xf32, #tpu.memory_space<hbm>>)
    %add3A_32 = arith.constant 32 : i32
    %add3A_33 = arith.addi %mul3A_2, %add3A_32 : i32
    %run_scoped3A_34 = arith.constant 0 : i32
    "tpu.region"() ({
      %run_scoped3A_65 = tpu.sem_alloc : memref<!tpu.dma_semaphore, #tpu.memory_space<semaphore_mem>>
      %dma_start3A_66 = tpu.memref_slice %arg2[%run_scoped3A_34, %add3A_33] : memref<2x2048xi32, #tpu.memory_space<hbm>> -> memref<1x32xi32, #tpu.memory_space<hbm>>
      %dma_start3A_67 = tpu.memref_squeeze %dma_start3A_66 : memref<1x32xi32, #tpu.memory_space<hbm>> -> memref<32xi32, #tpu.memory_space<hbm>>
      %dma_start3A_68 = tpu.memref_slice %arg2[%run_scoped3A_34, %add3A_33] : memref<2x2048xi32, #tpu.memory_space<hbm>> -> memref<1x32xi32, #tpu.memory_space<hbm>>
      %dma_start3A_69 = tpu.memref_squeeze %dma_start3A_68 : memref<1x32xi32, #tpu.memory_space<hbm>> -> memref<32xi32, #tpu.memory_space<hbm>>
      tpu.enqueue_dma source(%dma_start3A_69 : memref<32xi32, #tpu.memory_space<hbm>>) target(%arg7 : memref<32xi32, #tpu.memory_space<vmem>>) target_semaphore(%run_scoped3A_65 : memref<!tpu.dma_semaphore, #tpu.memory_space<semaphore_mem>>)
      %dma_wait3A_70 = tpu.memref_slice %arg2[%run_scoped3A_34, %add3A_33] : memref<2x2048xi32, #tpu.memory_space<hbm>> -> memref<1x32xi32, #tpu.memory_space<hbm>>
      %dma_wait3A_71 = tpu.memref_squeeze %dma_wait3A_70 : memref<1x32xi32, #tpu.memory_space<hbm>> -> memref<32xi32, #tpu.memory_space<hbm>>
      %dma_wait3A_72 = tpu.memref_slice %arg2[%run_scoped3A_34, %add3A_33] : memref<2x2048xi32, #tpu.memory_space<hbm>> -> memref<1x32xi32, #tpu.memory_space<hbm>>
      %dma_wait3A_73 = tpu.memref_squeeze %dma_wait3A_72 : memref<1x32xi32, #tpu.memory_space<hbm>> -> memref<32xi32, #tpu.memory_space<hbm>>
      tpu.wait_dma2 semaphore(%run_scoped3A_65 : memref<!tpu.dma_semaphore, #tpu.memory_space<semaphore_mem>>) src(%dma_wait3A_73 : memref<32xi32, #tpu.memory_space<hbm>>) dst(%arg7 : memref<32xi32, #tpu.memory_space<vmem>>)
      tpu.yield
    }) : () -> ()
    %run_scoped3A_35 = arith.constant 1 : i32
    "tpu.region"() ({
      %run_scoped3A_65 = tpu.sem_alloc : memref<!tpu.dma_semaphore, #tpu.memory_space<semaphore_mem>>
      %dma_start3A_66 = tpu.memref_slice %arg2[%run_scoped3A_35, %add3A_33] : memref<2x2048xi32, #tpu.memory_space<hbm>> -> memref<1x32xi32, #tpu.memory_space<hbm>>
      %dma_start3A_67 = tpu.memref_squeeze %dma_start3A_66 : memref<1x32xi32, #tpu.memory_space<hbm>> -> memref<32xi32, #tpu.memory_space<hbm>>
      %dma_start3A_68 = tpu.memref_slice %arg2[%run_scoped3A_35, %add3A_33] : memref<2x2048xi32, #tpu.memory_space<hbm>> -> memref<1x32xi32, #tpu.memory_space<hbm>>
      %dma_start3A_69 = tpu.memref_squeeze %dma_start3A_68 : memref<1x32xi32, #tpu.memory_space<hbm>> -> memref<32xi32, #tpu.memory_space<hbm>>
      tpu.enqueue_dma source(%dma_start3A_69 : memref<32xi32, #tpu.memory_space<hbm>>) target(%arg8 : memref<32xi32, #tpu.memory_space<vmem>>) target_semaphore(%run_scoped3A_65 : memref<!tpu.dma_semaphore, #tpu.memory_space<semaphore_mem>>)
      %dma_wait3A_70 = tpu.memref_slice %arg2[%run_scoped3A_35, %add3A_33] : memref<2x2048xi32, #tpu.memory_space<hbm>> -> memref<1x32xi32, #tpu.memory_space<hbm>>
      %dma_wait3A_71 = tpu.memref_squeeze %dma_wait3A_70 : memref<1x32xi32, #tpu.memory_space<hbm>> -> memref<32xi32, #tpu.memory_space<hbm>>
      %dma_wait3A_72 = tpu.memref_slice %arg2[%run_scoped3A_35, %add3A_33] : memref<2x2048xi32, #tpu.memory_space<hbm>> -> memref<1x32xi32, #tpu.memory_space<hbm>>
      %dma_wait3A_73 = tpu.memref_squeeze %dma_wait3A_72 : memref<1x32xi32, #tpu.memory_space<hbm>> -> memref<32xi32, #tpu.memory_space<hbm>>
      tpu.wait_dma2 semaphore(%run_scoped3A_65 : memref<!tpu.dma_semaphore, #tpu.memory_space<semaphore_mem>>) src(%dma_wait3A_73 : memref<32xi32, #tpu.memory_space<hbm>>) dst(%arg8 : memref<32xi32, #tpu.memory_space<vmem>>)
      tpu.yield
    }) : () -> ()
    %run_scoped3A_36 = arith.constant 0 : i32
    "tpu.region"() ({
      %run_scoped3A_65 = tpu.sem_alloc : memref<!tpu.dma_semaphore, #tpu.memory_space<semaphore_mem>>
      %dma_start3A_66 = tpu.memref_slice %arg3[%run_scoped3A_36, %add3A_33] : memref<2x2048xf32, #tpu.memory_space<hbm>> -> memref<1x32xf32, #tpu.memory_space<hbm>>
      %dma_start3A_67 = tpu.memref_squeeze %dma_start3A_66 : memref<1x32xf32, #tpu.memory_space<hbm>> -> memref<32xf32, #tpu.memory_space<hbm>>
      %dma_start3A_68 = tpu.memref_slice %arg3[%run_scoped3A_36, %add3A_33] : memref<2x2048xf32, #tpu.memory_space<hbm>> -> memref<1x32xf32, #tpu.memory_space<hbm>>
      %dma_start3A_69 = tpu.memref_squeeze %dma_start3A_68 : memref<1x32xf32, #tpu.memory_space<hbm>> -> memref<32xf32, #tpu.memory_space<hbm>>
      tpu.enqueue_dma source(%dma_start3A_69 : memref<32xf32, #tpu.memory_space<hbm>>) target(%arg9 : memref<32xf32, #tpu.memory_space<vmem>>) target_semaphore(%run_scoped3A_65 : memref<!tpu.dma_semaphore, #tpu.memory_space<semaphore_mem>>)
      %dma_wait3A_70 = tpu.memref_slice %arg3[%run_scoped3A_36, %add3A_33] : memref<2x2048xf32, #tpu.memory_space<hbm>> -> memref<1x32xf32, #tpu.memory_space<hbm>>
      %dma_wait3A_71 = tpu.memref_squeeze %dma_wait3A_70 : memref<1x32xf32, #tpu.memory_space<hbm>> -> memref<32xf32, #tpu.memory_space<hbm>>
      %dma_wait3A_72 = tpu.memref_slice %arg3[%run_scoped3A_36, %add3A_33] : memref<2x2048xf32, #tpu.memory_space<hbm>> -> memref<1x32xf32, #tpu.memory_space<hbm>>
      %dma_wait3A_73 = tpu.memref_squeeze %dma_wait3A_72 : memref<1x32xf32, #tpu.memory_space<hbm>> -> memref<32xf32, #tpu.memory_space<hbm>>
      tpu.wait_dma2 semaphore(%run_scoped3A_65 : memref<!tpu.dma_semaphore, #tpu.memory_space<semaphore_mem>>) src(%dma_wait3A_73 : memref<32xf32, #tpu.memory_space<hbm>>) dst(%arg9 : memref<32xf32, #tpu.memory_space<vmem>>)
      tpu.yield
    }) : () -> ()
    %run_scoped3A_37 = arith.constant 1 : i32
    "tpu.region"() ({
      %run_scoped3A_65 = tpu.sem_alloc : memref<!tpu.dma_semaphore, #tpu.memory_space<semaphore_mem>>
      %dma_start3A_66 = tpu.memref_slice %arg3[%run_scoped3A_37, %add3A_33] : memref<2x2048xf32, #tpu.memory_space<hbm>> -> memref<1x32xf32, #tpu.memory_space<hbm>>
      %dma_start3A_67 = tpu.memref_squeeze %dma_start3A_66 : memref<1x32xf32, #tpu.memory_space<hbm>> -> memref<32xf32, #tpu.memory_space<hbm>>
      %dma_start3A_68 = tpu.memref_slice %arg3[%run_scoped3A_37, %add3A_33] : memref<2x2048xf32, #tpu.memory_space<hbm>> -> memref<1x32xf32, #tpu.memory_space<hbm>>
      %dma_start3A_69 = tpu.memref_squeeze %dma_start3A_68 : memref<1x32xf32, #tpu.memory_space<hbm>> -> memref<32xf32, #tpu.memory_space<hbm>>
      tpu.enqueue_dma source(%dma_start3A_69 : memref<32xf32, #tpu.memory_space<hbm>>) target(%arg10 : memref<32xf32, #tpu.memory_space<vmem>>) target_semaphore(%run_scoped3A_65 : memref<!tpu.dma_semaphore, #tpu.memory_space<semaphore_mem>>)
      %dma_wait3A_70 = tpu.memref_slice %arg3[%run_scoped3A_37, %add3A_33] : memref<2x2048xf32, #tpu.memory_space<hbm>> -> memref<1x32xf32, #tpu.memory_space<hbm>>
      %dma_wait3A_71 = tpu.memref_squeeze %dma_wait3A_70 : memref<1x32xf32, #tpu.memory_space<hbm>> -> memref<32xf32, #tpu.memory_space<hbm>>
      %dma_wait3A_72 = tpu.memref_slice %arg3[%run_scoped3A_37, %add3A_33] : memref<2x2048xf32, #tpu.memory_space<hbm>> -> memref<1x32xf32, #tpu.memory_space<hbm>>
      %dma_wait3A_73 = tpu.memref_squeeze %dma_wait3A_72 : memref<1x32xf32, #tpu.memory_space<hbm>> -> memref<32xf32, #tpu.memory_space<hbm>>
      tpu.wait_dma2 semaphore(%run_scoped3A_65 : memref<!tpu.dma_semaphore, #tpu.memory_space<semaphore_mem>>) src(%dma_wait3A_73 : memref<32xf32, #tpu.memory_space<hbm>>) dst(%arg10 : memref<32xf32, #tpu.memory_space<vmem>>)
      tpu.yield
    }) : () -> ()
    "tpu.region"() ({
      %run_scoped3A_65 = tpu.sem_alloc : memref<!tpu.dma_semaphore, #tpu.memory_space<semaphore_mem>>
      %dma_start3A_66 = arith.constant 0 : i32
      %dma_start3A_67 = tpu.memref_slice %arg5[%add3A_33, %dma_start3A_66] : memref<2048x1024xf32, #tpu.memory_space<hbm>> -> memref<32x1024xf32, #tpu.memory_space<hbm>>
      %dma_start3A_68 = arith.constant 0 : i32
      %dma_start3A_69 = tpu.memref_slice %arg5[%add3A_33, %dma_start3A_68] : memref<2048x1024xf32, #tpu.memory_space<hbm>> -> memref<32x1024xf32, #tpu.memory_space<hbm>>
      tpu.enqueue_dma source(%dma_start3A_69 : memref<32x1024xf32, #tpu.memory_space<hbm>>) target(%arg13 : memref<32x1024xf32, #tpu.memory_space<vmem>>) target_semaphore(%run_scoped3A_65 : memref<!tpu.dma_semaphore, #tpu.memory_space<semaphore_mem>>)
      %dma_wait3A_70 = arith.constant 0 : i32
      %dma_wait3A_71 = tpu.memref_slice %arg5[%add3A_33, %dma_wait3A_70] : memref<2048x1024xf32, #tpu.memory_space<hbm>> -> memref<32x1024xf32, #tpu.memory_space<hbm>>
      %dma_wait3A_72 = arith.constant 0 : i32
      %dma_wait3A_73 = tpu.memref_slice %arg5[%add3A_33, %dma_wait3A_72] : memref<2048x1024xf32, #tpu.memory_space<hbm>> -> memref<32x1024xf32, #tpu.memory_space<hbm>>
      tpu.wait_dma2 semaphore(%run_scoped3A_65 : memref<!tpu.dma_semaphore, #tpu.memory_space<semaphore_mem>>) src(%dma_wait3A_73 : memref<32x1024xf32, #tpu.memory_space<hbm>>) dst(%arg13 : memref<32x1024xf32, #tpu.memory_space<vmem>>)
      tpu.yield
    }) : () -> ()
    %dma_start3A_38 = arith.constant 0 : i32
    %dma_start3A_39 = arith.constant 0 : i32
    %dma_start3A_40 = tpu.memref_slice %arg4[%dma_start3A_38, %dma_start3A_39] : memref<5120x1024xf32, #tpu.memory_space<hbm>> -> memref<5120x1024xf32, #tpu.memory_space<hbm>>
    tpu.enqueue_indirect_dma source(%dma_start3A_40 : memref<5120x1024xf32, #tpu.memory_space<hbm>>) target(%arg11 : memref<32x1024xf32, #tpu.memory_space<vmem>>) offsets(%arg7 : memref<32xi32, #tpu.memory_space<vmem>>) semaphore(%arg14 : memref<!tpu.dma_semaphore, #tpu.memory_space<semaphore_mem>>)
    %dma_start3A_41 = arith.constant 0 : i32
    %dma_start3A_42 = arith.constant 0 : i32
    %dma_start3A_43 = tpu.memref_slice %arg4[%dma_start3A_41, %dma_start3A_42] : memref<5120x1024xf32, #tpu.memory_space<hbm>> -> memref<5120x1024xf32, #tpu.memory_space<hbm>>
    tpu.enqueue_indirect_dma source(%dma_start3A_43 : memref<5120x1024xf32, #tpu.memory_space<hbm>>) target(%arg12 : memref<32x1024xf32, #tpu.memory_space<vmem>>) offsets(%arg8 : memref<32xi32, #tpu.memory_space<vmem>>) semaphore(%arg15 : memref<!tpu.dma_semaphore, #tpu.memory_space<semaphore_mem>>)
    %dma_wait3A_44 = arith.constant 0 : i32
    %dma_wait3A_45 = arith.constant 0 : i32
    %dma_wait3A_46 = tpu.memref_slice %arg4[%dma_wait3A_44, %dma_wait3A_45] : memref<5120x1024xf32, #tpu.memory_space<hbm>> -> memref<5120x1024xf32, #tpu.memory_space<hbm>>
    tpu.wait_indirect_dma semaphore(%arg14 : memref<!tpu.dma_semaphore, #tpu.memory_space<semaphore_mem>>) src(%dma_wait3A_46 : memref<5120x1024xf32, #tpu.memory_space<hbm>>) dst(%arg11 : memref<32x1024xf32, #tpu.memory_space<vmem>>)
    %dma_wait3A_47 = arith.constant 0 : i32
    %dma_wait3A_48 = arith.constant 0 : i32
    %dma_wait3A_49 = tpu.memref_slice %arg4[%dma_wait3A_47, %dma_wait3A_48] : memref<5120x1024xf32, #tpu.memory_space<hbm>> -> memref<5120x1024xf32, #tpu.memory_space<hbm>>
    tpu.wait_indirect_dma semaphore(%arg15 : memref<!tpu.dma_semaphore, #tpu.memory_space<semaphore_mem>>) src(%dma_wait3A_49 : memref<5120x1024xf32, #tpu.memory_space<hbm>>) dst(%arg12 : memref<32x1024xf32, #tpu.memory_space<vmem>>)
    %scan3A_50 = arith.constant 0 : i32
    %scan3A_51 = arith.constant 0 : i32
    %scan3A_52 = arith.constant 32 : i32
    %scan3A_53 = arith.addi %scan3A_51, %scan3A_52 : i32
    %scan3A_54 = arith.constant 1 : i32
    %scan3A_55 = scf.for %scan3A_65 = %scan3A_51 to %scan3A_53 step %scan3A_54 iter_args(%scan3A_66 = %scan3A_50) -> (i32)  : i32 {
      %broadcast_in_dim3A = vector.broadcast %scan3A_65 : i32 to vector<16xi32>
      %gather3A = tpu.vector_load_idx %arg9[%broadcast_in_dim3A] : memref<32xf32, #tpu.memory_space<vmem>>[vector<16xi32>], vector<16xf32>,
      %broadcast_in_dim3A_67 = vector.broadcast %scan3A_65 : i32 to vector<16xi32>
      %gather3A_68 = tpu.vector_load_idx %arg10[%broadcast_in_dim3A_67] : memref<32xf32, #tpu.memory_space<vmem>>[vector<16xi32>], vector<16xf32>,
      %gt3A = arith.constant 0.000000e+00 : f32
      %gt3A_69 = vector.broadcast %gt3A : f32 to vector<16xf32>
      %gt3A_70 = arith.cmpf ogt, %gather3A, %gt3A_69 : vector<16xf32>
      %gt3A_71 = arith.constant 0.000000e+00 : f32
      %gt3A_72 = vector.broadcast %gt3A_71 : f32 to vector<16xf32>
      %gt3A_73 = arith.cmpf ogt, %gather3A_68, %gt3A_72 : vector<16xf32>
      %broadcast_in_dim3A_74 = arith.constant 0.000000e+00 : f32
      %broadcast_in_dim3A_75 = vector.broadcast %broadcast_in_dim3A_74 : f32 to vector<16xf32>
      %parallel_loop3A = arith.constant 0 : i32
      %parallel_loop3A_76 = arith.constant 64 : i32
      %parallel_loop3A_77 = arith.constant 1 : i32
      scf.for %parallel_loop3A_79 = %parallel_loop3A to %parallel_loop3A_76 step %parallel_loop3A_77  : i32 {
        %parallel_loop3A_80 = arith.constant 16 : i32
        %parallel_loop3A_81 = arith.muli %parallel_loop3A_79, %parallel_loop3A_80 : i32
        %parallel_loop3A_82 = arith.index_cast %scan3A_65 : i32 to index
        %parallel_loop3A_83 = arith.index_cast %parallel_loop3A_81 : i32 to index
        %parallel_loop3A_84 = tpu.vector_load %arg11[%parallel_loop3A_82, %parallel_loop3A_83] {strides = array<i32>} : memref<32x1024xf32, #tpu.memory_space<vmem>>, vector<16xf32>,
        %parallel_loop3A_85 = arith.mulf %gather3A, %parallel_loop3A_84 : vector<16xf32>
        %parallel_loop3A_86 = arith.select %gt3A_70, %parallel_loop3A_85, %broadcast_in_dim3A_75 : vector<16xi1>, vector<16xf32>
        %parallel_loop3A_87 = arith.index_cast %scan3A_65 : i32 to index
        %parallel_loop3A_88 = arith.index_cast %parallel_loop3A_81 : i32 to index
        %parallel_loop3A_89 = tpu.vector_load %arg12[%parallel_loop3A_87, %parallel_loop3A_88] {strides = array<i32>} : memref<32x1024xf32, #tpu.memory_space<vmem>>, vector<16xf32>,
        %parallel_loop3A_90 = arith.mulf %gather3A_68, %parallel_loop3A_89 : vector<16xf32>
        %parallel_loop3A_91 = arith.select %gt3A_73, %parallel_loop3A_90, %broadcast_in_dim3A_75 : vector<16xi1>, vector<16xf32>
        %parallel_loop3A_92 = arith.index_cast %scan3A_65 : i32 to index
        %parallel_loop3A_93 = arith.index_cast %parallel_loop3A_81 : i32 to index
        %parallel_loop3A_94 = tpu.vector_load %arg13[%parallel_loop3A_92, %parallel_loop3A_93] {strides = array<i32>} : memref<32x1024xf32, #tpu.memory_space<vmem>>, vector<16xf32>,
        %parallel_loop3A_95 = arith.addf %parallel_loop3A_94, %parallel_loop3A_86 : vector<16xf32>
        %parallel_loop3A_96 = arith.addf %parallel_loop3A_95, %parallel_loop3A_91 : vector<16xf32>
        %parallel_loop3A_97 = arith.index_cast %scan3A_65 : i32 to index
        %parallel_loop3A_98 = arith.index_cast %parallel_loop3A_81 : i32 to index
        %parallel_loop3A_99 = tpu.vector_load %arg13[%parallel_loop3A_97, %parallel_loop3A_98] {strides = array<i32>} : memref<32x1024xf32, #tpu.memory_space<vmem>>, vector<16xf32>,
        tpu.vector_store %arg13[%parallel_loop3A_97, %parallel_loop3A_98], %parallel_loop3A_96 {strides = array<i32>} : memref<32x1024xf32, #tpu.memory_space<vmem>>, vector<16xf32>,
      } {sc.loop_unroll_factor = 4 : i64, sc.parallel_access}
      %scan3A_78 = arith.constant 0 : i32
      scf.yield %scan3A_78 : i32
    }
    %scan3A_56 = arith.constant 32 : i32
    %dma_start3A_57 = arith.constant 0 : i32
    %dma_start3A_58 = tpu.memref_slice %arg6[%add3A_33, %dma_start3A_57] : memref<2048x1024xf32, #tpu.memory_space<hbm>> -> memref<32x1024xf32, #tpu.memory_space<hbm>>
    %dma_start3A_59 = arith.constant 0 : i32
    %dma_start3A_60 = tpu.memref_slice %arg6[%add3A_33, %dma_start3A_59] : memref<2048x1024xf32, #tpu.memory_space<hbm>> -> memref<32x1024xf32, #tpu.memory_space<hbm>>
    tpu.enqueue_dma source(%arg13 : memref<32x1024xf32, #tpu.memory_space<vmem>>) target(%dma_start3A_60 : memref<32x1024xf32, #tpu.memory_space<hbm>>) target_semaphore(%arg16 : memref<!tpu.dma_semaphore, #tpu.memory_space<semaphore_mem>>)
    %dma_wait3A_61 = arith.constant 0 : i32
    %dma_wait3A_62 = tpu.memref_slice %arg6[%add3A_33, %dma_wait3A_61] : memref<2048x1024xf32, #tpu.memory_space<hbm>> -> memref<32x1024xf32, #tpu.memory_space<hbm>>
    %dma_wait3A_63 = arith.constant 0 : i32
    %dma_wait3A_64 = tpu.memref_slice %arg6[%add3A_33, %dma_wait3A_63] : memref<2048x1024xf32, #tpu.memory_space<hbm>> -> memref<32x1024xf32, #tpu.memory_space<hbm>>
    tpu.wait_dma2 semaphore(%arg16 : memref<!tpu.dma_semaphore, #tpu.memory_space<semaphore_mem>>) src(%arg13 : memref<32x1024xf32, #tpu.memory_space<vmem>>) dst(%dma_wait3A_64 : memref<32x1024xf32, #tpu.memory_space<hbm>>)
    return
  }
}

#map = affine_map<(d0, d1) -> (0, 0)>
module attributes {stable_mosaic.version = 14 : i64} {
  func.func @_dispatch_body(%arg0: i32, %arg1: i32, %arg2: memref<64x64xi32, #tpu.memory_space<hbm>>, %arg3: memref<2048x1024xf32, #tpu.memory_space<hbm>>, %arg4: memref<5200x1024xf32, #tpu.memory_space<hbm>>, %arg5: memref<2x64xi32, #tpu.memory_space<vmem>>, %arg6: memref<64x1024xf32, #tpu.memory_space<vmem>>, %arg7: memref<!tpu.dma_semaphore, #tpu.memory_space<semaphore_mem>>) attributes {dimension_semantics = [#tpu.dimension_semantics<core_parallel>, #tpu.dimension_semantics<subcore_parallel>], iteration_bounds = array<i64: 2, 16>, scalar_prefetch = 0 : i64, scratch_operands = 3 : i64, tpu.core_type = #tpu.core_type<sc_vector_subcore>, window_params = [{transform_indices = #map}, {transform_indices = #map}, {transform_indices = #map}]} {
    %mul3A = arith.constant 2 : i32
    %mul3A_0 = arith.muli %arg1, %mul3A : i32
    %add3A = arith.addi %mul3A_0, %arg0 : i32
    %mul3A_1 = arith.constant 2 : i32
    %mul3A_2 = arith.muli %add3A, %mul3A_1 : i32
    "tpu.region"() ({
      %run_scoped3A = tpu.sem_alloc : memref<!tpu.dma_semaphore, #tpu.memory_space<semaphore_mem>>
      %dma_start3A_40 = arith.constant 0 : i32
      %dma_start3A_41 = tpu.memref_slice %arg2[%mul3A_2, %dma_start3A_40] : memref<64x64xi32, #tpu.memory_space<hbm>> -> memref<2x64xi32, #tpu.memory_space<hbm>>
      %dma_start3A_42 = arith.constant 0 : i32
      %dma_start3A_43 = tpu.memref_slice %arg2[%mul3A_2, %dma_start3A_42] : memref<64x64xi32, #tpu.memory_space<hbm>> -> memref<2x64xi32, #tpu.memory_space<hbm>>
      tpu.enqueue_dma source(%dma_start3A_43 : memref<2x64xi32, #tpu.memory_space<hbm>>) target(%arg5 : memref<2x64xi32, #tpu.memory_space<vmem>>) target_semaphore(%run_scoped3A : memref<!tpu.dma_semaphore, #tpu.memory_space<semaphore_mem>>)
      %dma_wait3A_44 = arith.constant 0 : i32
      %dma_wait3A_45 = tpu.memref_slice %arg2[%mul3A_2, %dma_wait3A_44] : memref<64x64xi32, #tpu.memory_space<hbm>> -> memref<2x64xi32, #tpu.memory_space<hbm>>
      %dma_wait3A_46 = arith.constant 0 : i32
      %dma_wait3A_47 = tpu.memref_slice %arg2[%mul3A_2, %dma_wait3A_46] : memref<64x64xi32, #tpu.memory_space<hbm>> -> memref<2x64xi32, #tpu.memory_space<hbm>>
      tpu.wait_dma2 semaphore(%run_scoped3A : memref<!tpu.dma_semaphore, #tpu.memory_space<semaphore_mem>>) src(%dma_wait3A_47 : memref<2x64xi32, #tpu.memory_space<hbm>>) dst(%arg5 : memref<2x64xi32, #tpu.memory_space<vmem>>)
      tpu.yield
    }) : () -> ()
    %mul3A_3 = arith.constant 128 : i32
    %mul3A_4 = arith.muli %add3A, %mul3A_3 : i32
    %add3A_5 = arith.constant 0 : i32
    %add3A_6 = arith.addi %mul3A_4, %add3A_5 : i32
    %rem3A = arith.constant 2048 : i32
    %rem3A_7 = arith.remsi %add3A_6, %rem3A : i32
    "tpu.region"() ({
      %run_scoped3A = tpu.sem_alloc : memref<!tpu.dma_semaphore, #tpu.memory_space<semaphore_mem>>
      %dma_start3A_40 = arith.constant 0 : i32
      %dma_start3A_41 = tpu.memref_slice %arg3[%rem3A_7, %dma_start3A_40] : memref<2048x1024xf32, #tpu.memory_space<hbm>> -> memref<64x1024xf32, #tpu.memory_space<hbm>>
      %dma_start3A_42 = arith.constant 0 : i32
      %dma_start3A_43 = tpu.memref_slice %arg3[%rem3A_7, %dma_start3A_42] : memref<2048x1024xf32, #tpu.memory_space<hbm>> -> memref<64x1024xf32, #tpu.memory_space<hbm>>
      tpu.enqueue_dma source(%dma_start3A_43 : memref<64x1024xf32, #tpu.memory_space<hbm>>) target(%arg6 : memref<64x1024xf32, #tpu.memory_space<vmem>>) target_semaphore(%run_scoped3A : memref<!tpu.dma_semaphore, #tpu.memory_space<semaphore_mem>>)
      %dma_wait3A_44 = arith.constant 0 : i32
      %dma_wait3A_45 = tpu.memref_slice %arg3[%rem3A_7, %dma_wait3A_44] : memref<2048x1024xf32, #tpu.memory_space<hbm>> -> memref<64x1024xf32, #tpu.memory_space<hbm>>
      %dma_wait3A_46 = arith.constant 0 : i32
      %dma_wait3A_47 = tpu.memref_slice %arg3[%rem3A_7, %dma_wait3A_46] : memref<2048x1024xf32, #tpu.memory_space<hbm>> -> memref<64x1024xf32, #tpu.memory_space<hbm>>
      tpu.wait_dma2 semaphore(%run_scoped3A : memref<!tpu.dma_semaphore, #tpu.memory_space<semaphore_mem>>) src(%dma_wait3A_47 : memref<64x1024xf32, #tpu.memory_space<hbm>>) dst(%arg6 : memref<64x1024xf32, #tpu.memory_space<vmem>>)
      tpu.yield
    }) : () -> ()
    %dma_start3A = arith.constant 0 : i32
    %dma_start3A_8 = arith.constant 0 : i32
    %dma_start3A_9 = tpu.memref_slice %arg5[%dma_start3A, %dma_start3A_8] : memref<2x64xi32, #tpu.memory_space<vmem>> -> memref<1x64xi32, #tpu.memory_space<vmem>>
    %dma_start3A_10 = tpu.memref_squeeze %dma_start3A_9 : memref<1x64xi32, #tpu.memory_space<vmem>> -> memref<64xi32, #tpu.memory_space<vmem>>
    %dma_start3A_11 = arith.constant 0 : i32
    %dma_start3A_12 = arith.constant 0 : i32
    %dma_start3A_13 = tpu.memref_slice %arg4[%dma_start3A_11, %dma_start3A_12] : memref<5200x1024xf32, #tpu.memory_space<hbm>> -> memref<5200x1024xf32, #tpu.memory_space<hbm>>
    tpu.enqueue_indirect_dma source(%arg6 : memref<64x1024xf32, #tpu.memory_space<vmem>>) target(%dma_start3A_13 : memref<5200x1024xf32, #tpu.memory_space<hbm>>) offsets(%dma_start3A_10 : memref<64xi32, #tpu.memory_space<vmem>>) semaphore(%arg7 : memref<!tpu.dma_semaphore, #tpu.memory_space<semaphore_mem>>)
    %dma_wait3A = arith.constant 0 : i32
    %dma_wait3A_14 = arith.constant 0 : i32
    %dma_wait3A_15 = tpu.memref_slice %arg5[%dma_wait3A, %dma_wait3A_14] : memref<2x64xi32, #tpu.memory_space<vmem>> -> memref<1x64xi32, #tpu.memory_space<vmem>>
    %dma_wait3A_16 = tpu.memref_squeeze %dma_wait3A_15 : memref<1x64xi32, #tpu.memory_space<vmem>> -> memref<64xi32, #tpu.memory_space<vmem>>
    %dma_wait3A_17 = arith.constant 0 : i32
    %dma_wait3A_18 = arith.constant 0 : i32
    %dma_wait3A_19 = tpu.memref_slice %arg4[%dma_wait3A_17, %dma_wait3A_18] : memref<5200x1024xf32, #tpu.memory_space<hbm>> -> memref<5200x1024xf32, #tpu.memory_space<hbm>>
    tpu.wait_indirect_dma semaphore(%arg7 : memref<!tpu.dma_semaphore, #tpu.memory_space<semaphore_mem>>) src(%arg6 : memref<64x1024xf32, #tpu.memory_space<vmem>>) dst(%dma_wait3A_19 : memref<5200x1024xf32, #tpu.memory_space<hbm>>)
    %mul3A_20 = arith.constant 128 : i32
    %mul3A_21 = arith.muli %add3A, %mul3A_20 : i32
    %add3A_22 = arith.constant 64 : i32
    %add3A_23 = arith.addi %mul3A_21, %add3A_22 : i32
    %rem3A_24 = arith.constant 2048 : i32
    %rem3A_25 = arith.remsi %add3A_23, %rem3A_24 : i32
    "tpu.region"() ({
      %run_scoped3A = tpu.sem_alloc : memref<!tpu.dma_semaphore, #tpu.memory_space<semaphore_mem>>
      %dma_start3A_40 = arith.constant 0 : i32
      %dma_start3A_41 = tpu.memref_slice %arg3[%rem3A_25, %dma_start3A_40] : memref<2048x1024xf32, #tpu.memory_space<hbm>> -> memref<64x1024xf32, #tpu.memory_space<hbm>>
      %dma_start3A_42 = arith.constant 0 : i32
      %dma_start3A_43 = tpu.memref_slice %arg3[%rem3A_25, %dma_start3A_42] : memref<2048x1024xf32, #tpu.memory_space<hbm>> -> memref<64x1024xf32, #tpu.memory_space<hbm>>
      tpu.enqueue_dma source(%dma_start3A_43 : memref<64x1024xf32, #tpu.memory_space<hbm>>) target(%arg6 : memref<64x1024xf32, #tpu.memory_space<vmem>>) target_semaphore(%run_scoped3A : memref<!tpu.dma_semaphore, #tpu.memory_space<semaphore_mem>>)
      %dma_wait3A_44 = arith.constant 0 : i32
      %dma_wait3A_45 = tpu.memref_slice %arg3[%rem3A_25, %dma_wait3A_44] : memref<2048x1024xf32, #tpu.memory_space<hbm>> -> memref<64x1024xf32, #tpu.memory_space<hbm>>
      %dma_wait3A_46 = arith.constant 0 : i32
      %dma_wait3A_47 = tpu.memref_slice %arg3[%rem3A_25, %dma_wait3A_46] : memref<2048x1024xf32, #tpu.memory_space<hbm>> -> memref<64x1024xf32, #tpu.memory_space<hbm>>
      tpu.wait_dma2 semaphore(%run_scoped3A : memref<!tpu.dma_semaphore, #tpu.memory_space<semaphore_mem>>) src(%dma_wait3A_47 : memref<64x1024xf32, #tpu.memory_space<hbm>>) dst(%arg6 : memref<64x1024xf32, #tpu.memory_space<vmem>>)
      tpu.yield
    }) : () -> ()
    %dma_start3A_26 = arith.constant 1 : i32
    %dma_start3A_27 = arith.constant 0 : i32
    %dma_start3A_28 = tpu.memref_slice %arg5[%dma_start3A_26, %dma_start3A_27] : memref<2x64xi32, #tpu.memory_space<vmem>> -> memref<1x64xi32, #tpu.memory_space<vmem>>
    %dma_start3A_29 = tpu.memref_squeeze %dma_start3A_28 : memref<1x64xi32, #tpu.memory_space<vmem>> -> memref<64xi32, #tpu.memory_space<vmem>>
    %dma_start3A_30 = arith.constant 0 : i32
    %dma_start3A_31 = arith.constant 0 : i32
    %dma_start3A_32 = tpu.memref_slice %arg4[%dma_start3A_30, %dma_start3A_31] : memref<5200x1024xf32, #tpu.memory_space<hbm>> -> memref<5200x1024xf32, #tpu.memory_space<hbm>>
    tpu.enqueue_indirect_dma source(%arg6 : memref<64x1024xf32, #tpu.memory_space<vmem>>) target(%dma_start3A_32 : memref<5200x1024xf32, #tpu.memory_space<hbm>>) offsets(%dma_start3A_29 : memref<64xi32, #tpu.memory_space<vmem>>) semaphore(%arg7 : memref<!tpu.dma_semaphore, #tpu.memory_space<semaphore_mem>>)
    %dma_wait3A_33 = arith.constant 1 : i32
    %dma_wait3A_34 = arith.constant 0 : i32
    %dma_wait3A_35 = tpu.memref_slice %arg5[%dma_wait3A_33, %dma_wait3A_34] : memref<2x64xi32, #tpu.memory_space<vmem>> -> memref<1x64xi32, #tpu.memory_space<vmem>>
    %dma_wait3A_36 = tpu.memref_squeeze %dma_wait3A_35 : memref<1x64xi32, #tpu.memory_space<vmem>> -> memref<64xi32, #tpu.memory_space<vmem>>
    %dma_wait3A_37 = arith.constant 0 : i32
    %dma_wait3A_38 = arith.constant 0 : i32
    %dma_wait3A_39 = tpu.memref_slice %arg4[%dma_wait3A_37, %dma_wait3A_38] : memref<5200x1024xf32, #tpu.memory_space<hbm>> -> memref<5200x1024xf32, #tpu.memory_space<hbm>>
    tpu.wait_indirect_dma semaphore(%arg7 : memref<!tpu.dma_semaphore, #tpu.memory_space<semaphore_mem>>) src(%arg6 : memref<64x1024xf32, #tpu.memory_space<vmem>>) dst(%dma_wait3A_39 : memref<5200x1024xf32, #tpu.memory_space<hbm>>)
    return
  }
}

module attributes {stable_mosaic.version = 14 : i64} {
  func.func @_ln_qkv_body(%arg0: i32, %arg1: memref<512x1024xf32, #tpu.memory_space<vmem>>, %arg2: memref<1536x1024xbf16, #tpu.memory_space<vmem>>, %arg3: memref<1x1024xf32, #tpu.memory_space<vmem>>, %arg4: memref<1x1024xf32, #tpu.memory_space<vmem>>, %arg5: memref<24x512x64xbf16, #tpu.memory_space<vmem>>) attributes {dimension_semantics = [#tpu.dimension_semantics<arbitrary>], iteration_bounds = array<i64: 4>, scalar_prefetch = 0 : i64, scratch_operands = 0 : i64, tpu.core_type = #tpu.core_type<tc>, window_params = [{transform_indices = @transform_0, window_bounds = array<i64: 512, 1024>}, {pipeline_mode = #tpu.pipeline_mode<synchronous>, transform_indices = @transform_1, window_bounds = array<i64: 1536, 1024>}, {pipeline_mode = #tpu.pipeline_mode<synchronous>, transform_indices = @transform_2, window_bounds = array<i64: 1, 1024>}, {pipeline_mode = #tpu.pipeline_mode<synchronous>, transform_indices = @transform_3, window_bounds = array<i64: 1, 1024>}, {transform_indices = @transform_4, window_bounds = array<i64: 24, 512, 64>}]} {
    %get3A = arith.constant 0 : index
    %get3A_0 = arith.constant 0 : index
    %get3A_1 = vector.load %arg1[%get3A, %get3A_0] : memref<512x1024xf32, #tpu.memory_space<vmem>>, vector<512x1024xf32>
    %reduce_sum3A = arith.constant dense<0.000000e+00> : vector<512xf32>
    %reduce_sum3A_2 = vector.multi_reduction <add>, %get3A_1, %reduce_sum3A [1] : vector<512x1024xf32> to vector<512xf32>
    %broadcast_in_dim3A = vector.shape_cast %reduce_sum3A_2 : vector<512xf32> to vector<512x1xf32>
    %div3A = arith.constant 1.024000e+03 : f32
    %div3A_3 = vector.broadcast %div3A : f32 to vector<512x1xf32>
    %div3A_4 = arith.divf %broadcast_in_dim3A, %div3A_3 : vector<512x1xf32>
    %sub3A = vector.broadcast %div3A_4 : vector<512x1xf32> to vector<512x1024xf32>
    %sub3A_5 = arith.subf %get3A_1, %sub3A : vector<512x1024xf32>
    %mul3A = arith.mulf %sub3A_5, %sub3A_5 : vector<512x1024xf32>
    %reduce_sum3A_6 = arith.constant dense<0.000000e+00> : vector<512xf32>
    %reduce_sum3A_7 = vector.multi_reduction <add>, %mul3A, %reduce_sum3A_6 [1] : vector<512x1024xf32> to vector<512xf32>
    %broadcast_in_dim3A_8 = vector.shape_cast %reduce_sum3A_7 : vector<512xf32> to vector<512x1xf32>
    %div3A_9 = arith.constant 1.024000e+03 : f32
    %div3A_10 = vector.broadcast %div3A_9 : f32 to vector<512x1xf32>
    %div3A_11 = arith.divf %broadcast_in_dim3A_8, %div3A_10 : vector<512x1xf32>
    %add3A = arith.constant 9.99999974E-6 : f32
    %add3A_12 = vector.broadcast %add3A : f32 to vector<512x1xf32>
    %add3A_13 = arith.addf %div3A_11, %add3A_12 : vector<512x1xf32>
    %rsqrt3A = math.rsqrt %add3A_13 : vector<512x1xf32>
    %mul3A_14 = vector.broadcast %rsqrt3A : vector<512x1xf32> to vector<512x1024xf32>
    %mul3A_15 = arith.mulf %sub3A_5, %mul3A_14 : vector<512x1024xf32>
    %get3A_16 = arith.constant 0 : index
    %get3A_17 = arith.constant 0 : index
    %get3A_18 = vector.load %arg3[%get3A_16, %get3A_17] : memref<1x1024xf32, #tpu.memory_space<vmem>>, vector<1x1024xf32>
    %mul3A_19 = vector.broadcast %get3A_18 : vector<1x1024xf32> to vector<512x1024xf32>
    %mul3A_20 = arith.mulf %mul3A_15, %mul3A_19 : vector<512x1024xf32>
    %get3A_21 = arith.constant 0 : index
    %get3A_22 = arith.constant 0 : index
    %get3A_23 = vector.load %arg4[%get3A_21, %get3A_22] : memref<1x1024xf32, #tpu.memory_space<vmem>>, vector<1x1024xf32>
    %add3A_24 = vector.broadcast %get3A_23 : vector<1x1024xf32> to vector<512x1024xf32>
    %add3A_25 = arith.addf %mul3A_20, %add3A_24 : vector<512x1024xf32>
    %convert_element_type3A = arith.truncf %add3A_25 : vector<512x1024xf32> to vector<512x1024xbf16>
    %get3A_26 = arith.constant 0 : index
    %get3A_27 = arith.constant 0 : index
    %get3A_28 = vector.load %arg2[%get3A_26, %get3A_27] : memref<1536x1024xbf16, #tpu.memory_space<vmem>>, vector<1536x1024xbf16>
    %dot_general3A = arith.constant dense<0.000000e+00> : vector<512x1536xf32>
    %dot_general3A_29 = tpu.matmul %convert_element_type3A, %get3A_28, %dot_general3A {dimension_numbers = #tpu.dot_dimension_numbers<[1], [1], [0], [0], [0, 0, 1, 0], [], []>, transpose_lhs_hint = false} : vector<512x1024xbf16>, vector<1536x1024xbf16>, vector<512x1536xf32> -> vector<512x1536xf32>
    %convert_element_type3A_30 = arith.truncf %dot_general3A_29 : vector<512x1536xf32> to vector<512x1536xbf16>
    %reshape3A = vector.shape_cast %convert_element_type3A_30 : vector<512x1536xbf16> to vector<512x24x64xbf16>
    %transpose3A = tpu.transpose %reshape3A, [1, 0, 2] : vector<512x24x64xbf16> -> vector<24x512x64xbf16>
    %swap3A = arith.constant 0 : index
    %swap3A_31 = arith.constant 0 : index
    %swap3A_32 = arith.constant 0 : index
    %swap3A_33 = vector.load %arg5[%swap3A, %swap3A_31, %swap3A_32] : memref<24x512x64xbf16, #tpu.memory_space<vmem>>, vector<24x512x64xbf16>
    tpu.vector_store %arg5[%swap3A, %swap3A_31, %swap3A_32], %transpose3A {strides = array<i32>} : memref<24x512x64xbf16, #tpu.memory_space<vmem>>, vector<24x512x64xbf16>,
    return
  }
  func.func @transform_0(%arg0: i32) -> (i32, i32) {
    %c0_i32 = arith.constant 0 : i32
    %c0_i32_0 = arith.constant 0 : i32
    return %arg0, %c0_i32 : i32, i32
  }
  func.func @transform_1(%arg0: i32) -> (i32, i32) {
    %c0_i32 = arith.constant 0 : i32
    %c0_i32_0 = arith.constant 0 : i32
    %c0_i32_1 = arith.constant 0 : i32
    return %c0_i32, %c0_i32_0 : i32, i32
  }
  func.func @transform_2(%arg0: i32) -> (i32, i32) {
    %c0_i32 = arith.constant 0 : i32
    %c0_i32_0 = arith.constant 0 : i32
    %c0_i32_1 = arith.constant 0 : i32
    return %c0_i32, %c0_i32_0 : i32, i32
  }
  func.func @transform_3(%arg0: i32) -> (i32, i32) {
    %c0_i32 = arith.constant 0 : i32
    %c0_i32_0 = arith.constant 0 : i32
    %c0_i32_1 = arith.constant 0 : i32
    return %c0_i32, %c0_i32_0 : i32, i32
  }
  func.func @transform_4(%arg0: i32) -> (i32, i32, i32) {
    %c0_i32 = arith.constant 0 : i32
    %c0_i32_0 = arith.constant 0 : i32
    %c0_i32_1 = arith.constant 0 : i32
    return %c0_i32, %arg0, %c0_i32_0 : i32, i32, i32
  }
}

module attributes {stable_mosaic.version = 14 : i64} {
  func.func @_attn_body(%arg0: i32, %arg1: i32, %arg2: memref<4x512x64xbf16, #tpu.memory_space<vmem>>, %arg3: memref<1x2048x64xbf16, #tpu.memory_space<vmem>>, %arg4: memref<1x2048x64xbf16, #tpu.memory_space<vmem>>, %arg5: memref<512x256xbf16, #tpu.memory_space<vmem>>) attributes {dimension_semantics = [#tpu.dimension_semantics<arbitrary>, #tpu.dimension_semantics<arbitrary>], iteration_bounds = array<i64: 4, 4>, scalar_prefetch = 0 : i64, scratch_operands = 0 : i64, tpu.core_type = #tpu.core_type<tc>, window_params = [{transform_indices = @transform_0, window_bounds = array<i64: 4, 512, 64>}, {transform_indices = @transform_1, window_bounds = array<i64: 1, 2048, 64>}, {transform_indices = @transform_2, window_bounds = array<i64: 1, 2048, 64>}, {transform_indices = @transform_3, window_bounds = array<i64: 512, 256>}]} {
    %get3A = arith.constant 0 : index
    %get3A_0 = arith.constant 0 : index
    %get3A_1 = arith.constant 0 : index
    %get3A_2 = vector.load %arg2[%get3A, %get3A_0, %get3A_1] : memref<4x512x64xbf16, #tpu.memory_space<vmem>>, vector<4x512x64xbf16>
    %reshape3A = vector.shape_cast %get3A_2 : vector<4x512x64xbf16> to vector<2048x64xbf16>
    %mul3A = arith.constant 1.250000e-01 : bf16
    %mul3A_3 = vector.broadcast %mul3A : bf16 to vector<2048x64xbf16>
    %mul3A_4 = arith.mulf %reshape3A, %mul3A_3 : vector<2048x64xbf16>
    %broadcast_in_dim3A = arith.constant 0.000000e+00 : f32
    %broadcast_in_dim3A_5 = vector.broadcast %broadcast_in_dim3A : f32 to vector<2048x1xf32>
    %broadcast_in_dim3A_6 = arith.constant 0.000000e+00 : f32
    %broadcast_in_dim3A_7 = vector.broadcast %broadcast_in_dim3A_6 : f32 to vector<2048x64xf32>
    %while3A = arith.constant 0 : i32
    %while3A_8 = arith.subi %arg1, %while3A : i32
    %while3A_9 = arith.addi %while3A, %while3A_8 : i32
    %while3A_10 = arith.constant 1 : i32
    %while3A_11 = arith.divsi %while3A_8, %while3A_10 : i32
    %while3A_12 = arith.muli %while3A_11, %while3A_10 : i32
    %while3A_13 = arith.addi %while3A, %while3A_12 : i32
    %while3A_14 = arith.constant 1 : i32
    %while3A_15:2 = scf.for %while3A_48 = %while3A to %while3A_13 step %while3A_14 iter_args(%while3A_49 = %broadcast_in_dim3A_5, %while3A_50 = %broadcast_in_dim3A_7) -> (vector<2048x1xf32>, vector<2048x64xf32>)  : i32 {
      %mul3A_51 = arith.constant 512 : i32
      %mul3A_52 = arith.muli %while3A_48, %mul3A_51 : i32
      %get3A_53 = arith.constant 0 : index
      %get3A_54 = arith.index_cast %mul3A_52 : i32 to index
      %get3A_55 = arith.constant 0 : index
      %get3A_56 = vector.load %arg3[%get3A_53, %get3A_54, %get3A_55] : memref<1x2048x64xbf16, #tpu.memory_space<vmem>>, vector<1x512x64xbf16>
      %get3A_57 = vector.shape_cast %get3A_56 : vector<1x512x64xbf16> to vector<512x64xbf16>
      %mul3A_58 = arith.constant 512 : i32
      %mul3A_59 = arith.muli %while3A_48, %mul3A_58 : i32
      %get3A_60 = arith.constant 0 : index
      %get3A_61 = arith.index_cast %mul3A_59 : i32 to index
      %get3A_62 = arith.constant 0 : index
      %get3A_63 = vector.load %arg4[%get3A_60, %get3A_61, %get3A_62] : memref<1x2048x64xbf16, #tpu.memory_space<vmem>>, vector<1x512x64xbf16>
      %get3A_64 = vector.shape_cast %get3A_63 : vector<1x512x64xbf16> to vector<512x64xbf16>
      %dot_general3A_65 = arith.constant dense<0.000000e+00> : vector<2048x512xf32>
      %dot_general3A_66 = tpu.matmul %mul3A_4, %get3A_57, %dot_general3A_65 {dimension_numbers = #tpu.dot_dimension_numbers<[1], [1], [0], [0], [0, 0, 1, 0], [], []>, transpose_lhs_hint = false} : vector<2048x64xbf16>, vector<512x64xbf16>, vector<2048x512xf32> -> vector<2048x512xf32>
      %exp3A_67 = math.exp %dot_general3A_66 : vector<2048x512xf32>
      %reduce_sum3A_68 = arith.constant dense<0.000000e+00> : vector<2048xf32>
      %reduce_sum3A_69 = vector.multi_reduction <add>, %exp3A_67, %reduce_sum3A_68 [1] : vector<2048x512xf32> to vector<2048xf32>
      %broadcast_in_dim3A_70 = vector.shape_cast %reduce_sum3A_69 : vector<2048xf32> to vector<2048x1xf32>
      %convert_element_type3A_71 = arith.truncf %exp3A_67 : vector<2048x512xf32> to vector<2048x512xbf16>
      %dot_general3A_72 = arith.constant dense<0.000000e+00> : vector<2048x64xf32>
      %dot_general3A_73 = tpu.matmul %convert_element_type3A_71, %get3A_64, %dot_general3A_72 {dimension_numbers = #tpu.dot_dimension_numbers<[1], [0], [0], [1], [0, 0, 1, 1], [], []>, transpose_lhs_hint = false} : vector<2048x512xbf16>, vector<512x64xbf16>, vector<2048x64xf32> -> vector<2048x64xf32>
      %add3A_74 = arith.addf %while3A_49, %broadcast_in_dim3A_70 : vector<2048x1xf32>
      %add3A_75 = arith.addf %while3A_50, %dot_general3A_73 : vector<2048x64xf32>
      scf.yield %add3A_74, %add3A_75 : vector<2048x1xf32>, vector<2048x64xf32>
    }
    %while3A_16 = arith.constant 1 : i32
    %while3A_17:2 = scf.for %while3A_48 = %while3A_13 to %while3A_9 step %while3A_16 iter_args(%while3A_49 = %while3A_15#0, %while3A_50 = %while3A_15#1) -> (vector<2048x1xf32>, vector<2048x64xf32>)  : i32 {
      %mul3A_51 = arith.constant 512 : i32
      %mul3A_52 = arith.muli %while3A_48, %mul3A_51 : i32
      %get3A_53 = arith.constant 0 : index
      %get3A_54 = arith.index_cast %mul3A_52 : i32 to index
      %get3A_55 = arith.constant 0 : index
      %get3A_56 = vector.load %arg3[%get3A_53, %get3A_54, %get3A_55] : memref<1x2048x64xbf16, #tpu.memory_space<vmem>>, vector<1x512x64xbf16>
      %get3A_57 = vector.shape_cast %get3A_56 : vector<1x512x64xbf16> to vector<512x64xbf16>
      %mul3A_58 = arith.constant 512 : i32
      %mul3A_59 = arith.muli %while3A_48, %mul3A_58 : i32
      %get3A_60 = arith.constant 0 : index
      %get3A_61 = arith.index_cast %mul3A_59 : i32 to index
      %get3A_62 = arith.constant 0 : index
      %get3A_63 = vector.load %arg4[%get3A_60, %get3A_61, %get3A_62] : memref<1x2048x64xbf16, #tpu.memory_space<vmem>>, vector<1x512x64xbf16>
      %get3A_64 = vector.shape_cast %get3A_63 : vector<1x512x64xbf16> to vector<512x64xbf16>
      %dot_general3A_65 = arith.constant dense<0.000000e+00> : vector<2048x512xf32>
      %dot_general3A_66 = tpu.matmul %mul3A_4, %get3A_57, %dot_general3A_65 {dimension_numbers = #tpu.dot_dimension_numbers<[1], [1], [0], [0], [0, 0, 1, 0], [], []>, transpose_lhs_hint = false} : vector<2048x64xbf16>, vector<512x64xbf16>, vector<2048x512xf32> -> vector<2048x512xf32>
      %exp3A_67 = math.exp %dot_general3A_66 : vector<2048x512xf32>
      %reduce_sum3A_68 = arith.constant dense<0.000000e+00> : vector<2048xf32>
      %reduce_sum3A_69 = vector.multi_reduction <add>, %exp3A_67, %reduce_sum3A_68 [1] : vector<2048x512xf32> to vector<2048xf32>
      %broadcast_in_dim3A_70 = vector.shape_cast %reduce_sum3A_69 : vector<2048xf32> to vector<2048x1xf32>
      %convert_element_type3A_71 = arith.truncf %exp3A_67 : vector<2048x512xf32> to vector<2048x512xbf16>
      %dot_general3A_72 = arith.constant dense<0.000000e+00> : vector<2048x64xf32>
      %dot_general3A_73 = tpu.matmul %convert_element_type3A_71, %get3A_64, %dot_general3A_72 {dimension_numbers = #tpu.dot_dimension_numbers<[1], [0], [0], [1], [0, 0, 1, 1], [], []>, transpose_lhs_hint = false} : vector<2048x512xbf16>, vector<512x64xbf16>, vector<2048x64xf32> -> vector<2048x64xf32>
      %add3A_74 = arith.addf %while3A_49, %broadcast_in_dim3A_70 : vector<2048x1xf32>
      %add3A_75 = arith.addf %while3A_50, %dot_general3A_73 : vector<2048x64xf32>
      scf.yield %add3A_74, %add3A_75 : vector<2048x1xf32>, vector<2048x64xf32>
    }
    %mul3A_18 = arith.constant 512 : i32
    %mul3A_19 = arith.muli %arg1, %mul3A_18 : i32
    %get3A_20 = arith.constant 0 : index
    %get3A_21 = arith.index_cast %mul3A_19 : i32 to index
    %get3A_22 = arith.constant 0 : index
    %get3A_23 = vector.load %arg3[%get3A_20, %get3A_21, %get3A_22] : memref<1x2048x64xbf16, #tpu.memory_space<vmem>>, vector<1x512x64xbf16>
    %get3A_24 = vector.shape_cast %get3A_23 : vector<1x512x64xbf16> to vector<512x64xbf16>
    %mul3A_25 = arith.constant 512 : i32
    %mul3A_26 = arith.muli %arg1, %mul3A_25 : i32
    %get3A_27 = arith.constant 0 : index
    %get3A_28 = arith.index_cast %mul3A_26 : i32 to index
    %get3A_29 = arith.constant 0 : index
    %get3A_30 = vector.load %arg4[%get3A_27, %get3A_28, %get3A_29] : memref<1x2048x64xbf16, #tpu.memory_space<vmem>>, vector<1x512x64xbf16>
    %get3A_31 = vector.shape_cast %get3A_30 : vector<1x512x64xbf16> to vector<512x64xbf16>
    %dot_general3A = arith.constant dense<0.000000e+00> : vector<2048x512xf32>
    %dot_general3A_32 = tpu.matmul %mul3A_4, %get3A_24, %dot_general3A {dimension_numbers = #tpu.dot_dimension_numbers<[1], [1], [0], [0], [0, 0, 1, 0], [], []>, transpose_lhs_hint = false} : vector<2048x64xbf16>, vector<512x64xbf16>, vector<2048x512xf32> -> vector<2048x512xf32>
    %iota3A = tpu.iota {dimensions = array<i32: 0>} : vector<2048x512xi32>
    %and3A = arith.constant 511 : i32
    %and3A_33 = vector.broadcast %and3A : i32 to vector<2048x512xi32>
    %and3A_34 = arith.andi %iota3A, %and3A_33 : vector<2048x512xi32>
    %iota3A_35 = tpu.iota {dimensions = array<i32: 1>} : vector<2048x512xi32>
    %ge3A = arith.cmpi sge, %and3A_34, %iota3A_35 : vector<2048x512xi32>
    %jit3A = arith.constant 0xFF800000 : f32
    %broadcast_in_dim3A_36 = vector.broadcast %jit3A : f32 to vector<2048x512xf32>
    %select_n3A = arith.select %ge3A, %dot_general3A_32, %broadcast_in_dim3A_36 : vector<2048x512xi1>, vector<2048x512xf32>
    %exp3A = math.exp %select_n3A : vector<2048x512xf32>
    %reduce_sum3A = arith.constant dense<0.000000e+00> : vector<2048xf32>
    %reduce_sum3A_37 = vector.multi_reduction <add>, %exp3A, %reduce_sum3A [1] : vector<2048x512xf32> to vector<2048xf32>
    %broadcast_in_dim3A_38 = vector.shape_cast %reduce_sum3A_37 : vector<2048xf32> to vector<2048x1xf32>
    %convert_element_type3A = arith.truncf %exp3A : vector<2048x512xf32> to vector<2048x512xbf16>
    %dot_general3A_39 = arith.constant dense<0.000000e+00> : vector<2048x64xf32>
    %dot_general3A_40 = tpu.matmul %convert_element_type3A, %get3A_31, %dot_general3A_39 {dimension_numbers = #tpu.dot_dimension_numbers<[1], [0], [0], [1], [0, 0, 1, 1], [], []>, transpose_lhs_hint = false} : vector<2048x512xbf16>, vector<512x64xbf16>, vector<2048x64xf32> -> vector<2048x64xf32>
    %add3A = arith.addf %while3A_17#0, %broadcast_in_dim3A_38 : vector<2048x1xf32>
    %add3A_41 = arith.addf %while3A_17#1, %dot_general3A_40 : vector<2048x64xf32>
    %div3A = vector.broadcast %add3A : vector<2048x1xf32> to vector<2048x64xf32>
    %div3A_42 = arith.divf %add3A_41, %div3A : vector<2048x64xf32>
    %convert_element_type3A_43 = arith.truncf %div3A_42 : vector<2048x64xf32> to vector<2048x64xbf16>
    %reshape3A_44 = vector.shape_cast %convert_element_type3A_43 : vector<2048x64xbf16> to vector<4x512x64xbf16>
    %transpose3A = tpu.transpose %reshape3A_44, [1, 0, 2] : vector<4x512x64xbf16> -> vector<512x4x64xbf16>
    %reshape3A_45 = vector.shape_cast %transpose3A : vector<512x4x64xbf16> to vector<512x256xbf16>
    %swap3A = arith.constant 0 : index
    %swap3A_46 = arith.constant 0 : index
    %swap3A_47 = vector.load %arg5[%swap3A, %swap3A_46] : memref<512x256xbf16, #tpu.memory_space<vmem>>, vector<512x256xbf16>
    tpu.vector_store %arg5[%swap3A, %swap3A_46], %reshape3A_45 {strides = array<i32>} : memref<512x256xbf16, #tpu.memory_space<vmem>>, vector<512x256xbf16>,
    return
  }
  func.func @transform_0(%arg0: i32, %arg1: i32) -> (i32, i32, i32) {
    %c0_i32 = arith.constant 0 : i32
    %c0_i32_0 = arith.constant 0 : i32
    return %arg0, %arg1, %c0_i32 : i32, i32, i32
  }
  func.func @transform_1(%arg0: i32, %arg1: i32) -> (i32, i32, i32) {
    %add3A = arith.constant 16 : i32
    %add3A_0 = arith.addi %add3A, %arg0 : i32
    %c0_i32 = arith.constant 0 : i32
    %c0_i32_1 = arith.constant 0 : i32
    %c0_i32_2 = arith.constant 0 : i32
    return %add3A_0, %c0_i32, %c0_i32_1 : i32, i32, i32
  }
  func.func @transform_2(%arg0: i32, %arg1: i32) -> (i32, i32, i32) {
    %add3A = arith.constant 20 : i32
    %add3A_0 = arith.addi %add3A, %arg0 : i32
    %c0_i32 = arith.constant 0 : i32
    %c0_i32_1 = arith.constant 0 : i32
    %c0_i32_2 = arith.constant 0 : i32
    return %add3A_0, %c0_i32, %c0_i32_1 : i32, i32, i32
  }
  func.func @transform_3(%arg0: i32, %arg1: i32) -> (i32, i32) {
    %c0_i32 = arith.constant 0 : i32
    return %arg1, %arg0 : i32, i32
  }
}

module attributes {stable_mosaic.version = 14 : i64} {
  func.func @_proj_ln2_body(%arg0: i32, %arg1: memref<512x1024xbf16, #tpu.memory_space<vmem>>, %arg2: memref<1024x1024xbf16, #tpu.memory_space<vmem>>, %arg3: memref<512x1024xf32, #tpu.memory_space<vmem>>, %arg4: memref<1x1024xf32, #tpu.memory_space<vmem>>, %arg5: memref<1x1024xf32, #tpu.memory_space<vmem>>, %arg6: memref<64x1024xf32, #tpu.memory_space<vmem>>, %arg7: memref<512x1024xf32, #tpu.memory_space<vmem>>, %arg8: memref<512x1024xf32, #tpu.memory_space<vmem>>, %arg9: memref<2x2048xi32, #tpu.memory_space<vmem>>, %arg10: memref<2x2048xi32, #tpu.memory_space<vmem>>, %arg11: memref<2x2048xf32, #tpu.memory_space<vmem>>, %arg12: memref<64x2048xf32, #tpu.memory_space<vmem>>, %arg13: memref<2x2048xi32, #tpu.memory_space<vmem>>, %arg14: memref<2x2048xf32, #tpu.memory_space<vmem>>) attributes {dimension_semantics = [#tpu.dimension_semantics<arbitrary>], iteration_bounds = array<i64: 4>, scalar_prefetch = 0 : i64, scratch_operands = 3 : i64, tpu.core_type = #tpu.core_type<tc>, window_params = [{transform_indices = @transform_0, window_bounds = array<i64: 512, 1024>}, {pipeline_mode = #tpu.pipeline_mode<synchronous>, transform_indices = @transform_1, window_bounds = array<i64: 1024, 1024>}, {transform_indices = @transform_2, window_bounds = array<i64: 512, 1024>}, {pipeline_mode = #tpu.pipeline_mode<synchronous>, transform_indices = @transform_3, window_bounds = array<i64: 1, 1024>}, {pipeline_mode = #tpu.pipeline_mode<synchronous>, transform_indices = @transform_4, window_bounds = array<i64: 1, 1024>}, {pipeline_mode = #tpu.pipeline_mode<synchronous>, transform_indices = @transform_5, window_bounds = array<i64: 64, 1024>}, {transform_indices = @transform_6, window_bounds = array<i64: 512, 1024>}, {transform_indices = @transform_7, window_bounds = array<i64: 512, 1024>}, {pipeline_mode = #tpu.pipeline_mode<synchronous>, transform_indices = @transform_8, window_bounds = array<i64: 2, 2048>}, {pipeline_mode = #tpu.pipeline_mode<synchronous>, transform_indices = @transform_9, window_bounds = array<i64: 2, 2048>}, {pipeline_mode = #tpu.pipeline_mode<synchronous>, transform_indices = @transform_10, window_bounds = array<i64: 2, 2048>}]} {
    %get3A = arith.constant 0 : index
    %get3A_0 = arith.constant 0 : index
    %get3A_1 = vector.load %arg1[%get3A, %get3A_0] : memref<512x1024xbf16, #tpu.memory_space<vmem>>, vector<512x1024xbf16>
    %get3A_2 = arith.constant 0 : index
    %get3A_3 = arith.constant 0 : index
    %get3A_4 = vector.load %arg2[%get3A_2, %get3A_3] : memref<1024x1024xbf16, #tpu.memory_space<vmem>>, vector<1024x1024xbf16>
    %dot_general3A = arith.constant dense<0.000000e+00> : vector<512x1024xf32>
    %dot_general3A_5 = tpu.matmul %get3A_1, %get3A_4, %dot_general3A {dimension_numbers = #tpu.dot_dimension_numbers<[1], [1], [0], [0], [0, 0, 1, 0], [], []>, transpose_lhs_hint = false} : vector<512x1024xbf16>, vector<1024x1024xbf16>, vector<512x1024xf32> -> vector<512x1024xf32>
    %get3A_6 = arith.constant 0 : index
    %get3A_7 = arith.constant 0 : index
    %get3A_8 = vector.load %arg3[%get3A_6, %get3A_7] : memref<512x1024xf32, #tpu.memory_space<vmem>>, vector<512x1024xf32>
    %add3A = arith.addf %get3A_8, %dot_general3A_5 : vector<512x1024xf32>
    %swap3A = arith.constant 0 : index
    %swap3A_9 = arith.constant 0 : index
    %swap3A_10 = vector.load %arg7[%swap3A, %swap3A_9] : memref<512x1024xf32, #tpu.memory_space<vmem>>, vector<512x1024xf32>
    tpu.vector_store %arg7[%swap3A, %swap3A_9], %add3A {strides = array<i32>} : memref<512x1024xf32, #tpu.memory_space<vmem>>, vector<512x1024xf32>,
    %reduce_sum3A = arith.constant dense<0.000000e+00> : vector<512xf32>
    %reduce_sum3A_11 = vector.multi_reduction <add>, %add3A, %reduce_sum3A [1] : vector<512x1024xf32> to vector<512xf32>
    %broadcast_in_dim3A = vector.shape_cast %reduce_sum3A_11 : vector<512xf32> to vector<512x1xf32>
    %div3A = arith.constant 1.024000e+03 : f32
    %div3A_12 = vector.broadcast %div3A : f32 to vector<512x1xf32>
    %div3A_13 = arith.divf %broadcast_in_dim3A, %div3A_12 : vector<512x1xf32>
    %sub3A = vector.broadcast %div3A_13 : vector<512x1xf32> to vector<512x1024xf32>
    %sub3A_14 = arith.subf %add3A, %sub3A : vector<512x1024xf32>
    %mul3A = arith.mulf %sub3A_14, %sub3A_14 : vector<512x1024xf32>
    %reduce_sum3A_15 = arith.constant dense<0.000000e+00> : vector<512xf32>
    %reduce_sum3A_16 = vector.multi_reduction <add>, %mul3A, %reduce_sum3A_15 [1] : vector<512x1024xf32> to vector<512xf32>
    %broadcast_in_dim3A_17 = vector.shape_cast %reduce_sum3A_16 : vector<512xf32> to vector<512x1xf32>
    %div3A_18 = arith.constant 1.024000e+03 : f32
    %div3A_19 = vector.broadcast %div3A_18 : f32 to vector<512x1xf32>
    %div3A_20 = arith.divf %broadcast_in_dim3A_17, %div3A_19 : vector<512x1xf32>
    %add3A_21 = arith.constant 9.99999974E-6 : f32
    %add3A_22 = vector.broadcast %add3A_21 : f32 to vector<512x1xf32>
    %add3A_23 = arith.addf %div3A_20, %add3A_22 : vector<512x1xf32>
    %rsqrt3A = math.rsqrt %add3A_23 : vector<512x1xf32>
    %mul3A_24 = vector.broadcast %rsqrt3A : vector<512x1xf32> to vector<512x1024xf32>
    %mul3A_25 = arith.mulf %sub3A_14, %mul3A_24 : vector<512x1024xf32>
    %get3A_26 = arith.constant 0 : index
    %get3A_27 = arith.constant 0 : index
    %get3A_28 = vector.load %arg4[%get3A_26, %get3A_27] : memref<1x1024xf32, #tpu.memory_space<vmem>>, vector<1x1024xf32>
    %mul3A_29 = vector.broadcast %get3A_28 : vector<1x1024xf32> to vector<512x1024xf32>
    %mul3A_30 = arith.mulf %mul3A_25, %mul3A_29 : vector<512x1024xf32>
    %get3A_31 = arith.constant 0 : index
    %get3A_32 = arith.constant 0 : index
    %get3A_33 = vector.load %arg5[%get3A_31, %get3A_32] : memref<1x1024xf32, #tpu.memory_space<vmem>>, vector<1x1024xf32>
    %add3A_34 = vector.broadcast %get3A_33 : vector<1x1024xf32> to vector<512x1024xf32>
    %add3A_35 = arith.addf %mul3A_30, %add3A_34 : vector<512x1024xf32>
    %swap3A_36 = arith.constant 0 : index
    %swap3A_37 = arith.constant 0 : index
    %swap3A_38 = vector.load %arg8[%swap3A_36, %swap3A_37] : memref<512x1024xf32, #tpu.memory_space<vmem>>, vector<512x1024xf32>
    tpu.vector_store %arg8[%swap3A_36, %swap3A_37], %add3A_35 {strides = array<i32>} : memref<512x1024xf32, #tpu.memory_space<vmem>>, vector<512x1024xf32>,
    %get3A_39 = arith.constant 0 : index
    %get3A_40 = arith.constant 0 : index
    %get3A_41 = vector.load %arg6[%get3A_39, %get3A_40] : memref<64x1024xf32, #tpu.memory_space<vmem>>, vector<64x1024xf32>
    %dot_general3A_42 = arith.constant dense<0.000000e+00> : vector<64x512xf32>
    %dot_general3A_43 = tpu.matmul %get3A_41, %add3A_35, %dot_general3A_42 {dimension_numbers = #tpu.dot_dimension_numbers<[1], [1], [0], [0], [0, 0, 1, 0], [], []>, transpose_lhs_hint = false} : vector<64x1024xf32>, vector<512x1024xf32>, vector<64x512xf32> -> vector<64x512xf32>
    %mul3A_44 = arith.constant 512 : i32
    %mul3A_45 = arith.muli %arg0, %mul3A_44 : i32
    %swap3A_46 = arith.constant 0 : index
    %swap3A_47 = arith.index_cast %mul3A_45 : i32 to index
    %swap3A_48 = vector.load %arg12[%swap3A_46, %swap3A_47] : memref<64x2048xf32, #tpu.memory_space<vmem>>, vector<64x512xf32>
    tpu.vector_store %arg12[%swap3A_46, %swap3A_47], %dot_general3A_43 {strides = array<i32>} : memref<64x2048xf32, #tpu.memory_space<vmem>>, vector<64x512xf32>,
    %eq3A = arith.constant 3 : i32
    %eq3A_49 = arith.cmpi eq, %arg0, %eq3A : i32
    %convert_element_type3A = arith.extui %eq3A_49 : i1 to i32
    %cond3A = arith.constant 0 : i32
    %cond3A_50 = arith.cmpi ne, %convert_element_type3A, %cond3A : i32
    scf.if %cond3A_50 {
      %get3A_51 = arith.constant 0 : index
      %get3A_52 = arith.constant 0 : index
      %get3A_53 = vector.load %arg12[%get3A_51, %get3A_52] : memref<64x2048xf32, #tpu.memory_space<vmem>>, vector<64x2048xf32>
      %reduce_max3A = arith.constant dense<0xFF800000> : vector<2048xf32>
      %reduce_max3A_54 = vector.multi_reduction <maximumf>, %get3A_53, %reduce_max3A [0] : vector<64x2048xf32> to vector<2048xf32>
      %broadcast_in_dim3A_55 = vector.shape_cast %reduce_max3A_54 : vector<2048xf32> to vector<1x2048xf32>
      %sub3A_56 = vector.broadcast %broadcast_in_dim3A_55 : vector<1x2048xf32> to vector<64x2048xf32>
      %sub3A_57 = arith.subf %get3A_53, %sub3A_56 : vector<64x2048xf32>
      %exp3A = math.exp %sub3A_57 : vector<64x2048xf32>
      %reduce_sum3A_58 = arith.constant dense<0.000000e+00> : vector<2048xf32>
      %reduce_sum3A_59 = vector.multi_reduction <add>, %exp3A, %reduce_sum3A_58 [0] : vector<64x2048xf32> to vector<2048xf32>
      %broadcast_in_dim3A_60 = vector.shape_cast %reduce_sum3A_59 : vector<2048xf32> to vector<1x2048xf32>
      %div3A_61 = vector.broadcast %broadcast_in_dim3A_60 : vector<1x2048xf32> to vector<64x2048xf32>
      %div3A_62 = arith.divf %exp3A, %div3A_61 : vector<64x2048xf32>
      %iota3A = tpu.iota {dimensions = array<i32: 0>} : vector<64x2048xi32>
      %reduce_max3A_63 = arith.constant dense<0xFF800000> : vector<2048xf32>
      %reduce_max3A_64 = vector.multi_reduction <maximumf>, %div3A_62, %reduce_max3A_63 [0] : vector<64x2048xf32> to vector<2048xf32>
      %broadcast_in_dim3A_65 = vector.shape_cast %reduce_max3A_64 : vector<2048xf32> to vector<1x2048xf32>
      %eq3A_66 = vector.broadcast %broadcast_in_dim3A_65 : vector<1x2048xf32> to vector<64x2048xf32>
      %eq3A_67 = arith.cmpf oeq, %div3A_62, %eq3A_66 : vector<64x2048xf32>
      %jit3A = arith.constant 64 : i32
      %broadcast_in_dim3A_68 = vector.broadcast %jit3A : i32 to vector<64x2048xi32>
      %select_n3A = arith.select %eq3A_67, %iota3A, %broadcast_in_dim3A_68 : vector<64x2048xi1>, vector<64x2048xi32>
      %reduce_min3A = arith.constant dense<2147483647> : vector<2048xi32>
      %reduce_min3A_69 = vector.multi_reduction <minsi>, %select_n3A, %reduce_min3A [0] : vector<64x2048xi32> to vector<2048xi32>
      %broadcast_in_dim3A_70 = vector.shape_cast %reduce_min3A_69 : vector<2048xi32> to vector<1x2048xi32>
      %eq3A_71 = vector.broadcast %broadcast_in_dim3A_70 : vector<1x2048xi32> to vector<64x2048xi32>
      %eq3A_72 = arith.cmpi eq, %iota3A, %eq3A_71 : vector<64x2048xi32>
      %jit3A_73 = arith.constant -1.000000e+00 : f32
      %broadcast_in_dim3A_74 = vector.broadcast %jit3A_73 : f32 to vector<64x2048xf32>
      %select_n3A_75 = arith.select %eq3A_72, %broadcast_in_dim3A_74, %div3A_62 : vector<64x2048xi1>, vector<64x2048xf32>
      %reduce_max3A_76 = arith.constant dense<0xFF800000> : vector<2048xf32>
      %reduce_max3A_77 = vector.multi_reduction <maximumf>, %select_n3A_75, %reduce_max3A_76 [0] : vector<64x2048xf32> to vector<2048xf32>
      %broadcast_in_dim3A_78 = vector.shape_cast %reduce_max3A_77 : vector<2048xf32> to vector<1x2048xf32>
      %eq3A_79 = vector.broadcast %broadcast_in_dim3A_78 : vector<1x2048xf32> to vector<64x2048xf32>
      %eq3A_80 = arith.cmpf oeq, %select_n3A_75, %eq3A_79 : vector<64x2048xf32>
      %jit3A_81 = arith.constant 64 : i32
      %broadcast_in_dim3A_82 = vector.broadcast %jit3A_81 : i32 to vector<64x2048xi32>
      %select_n3A_83 = arith.select %eq3A_80, %iota3A, %broadcast_in_dim3A_82 : vector<64x2048xi1>, vector<64x2048xi32>
      %reduce_min3A_84 = arith.constant dense<2147483647> : vector<2048xi32>
      %reduce_min3A_85 = vector.multi_reduction <minsi>, %select_n3A_83, %reduce_min3A_84 [0] : vector<64x2048xi32> to vector<2048xi32>
      %broadcast_in_dim3A_86 = vector.shape_cast %reduce_min3A_85 : vector<2048xi32> to vector<1x2048xi32>
      %concatenate3A = tpu.concatenate %broadcast_in_dim3A_70, %broadcast_in_dim3A_86 in 0 : vector<1x2048xi32>, vector<1x2048xi32> -> vector<2x2048xi32>
      %swap3A_87 = arith.constant 0 : index
      %swap3A_88 = arith.constant 0 : index
      %swap3A_89 = vector.load %arg13[%swap3A_87, %swap3A_88] : memref<2x2048xi32, #tpu.memory_space<vmem>>, vector<2x2048xi32>
      tpu.vector_store %arg13[%swap3A_87, %swap3A_88], %concatenate3A {strides = array<i32>} : memref<2x2048xi32, #tpu.memory_space<vmem>>, vector<2x2048xi32>,
      %concatenate3A_90 = tpu.concatenate %broadcast_in_dim3A_65, %broadcast_in_dim3A_78 in 0 : vector<1x2048xf32>, vector<1x2048xf32> -> vector<2x2048xf32>
      %swap3A_91 = arith.constant 0 : index
      %swap3A_92 = arith.constant 0 : index
      %swap3A_93 = vector.load %arg14[%swap3A_91, %swap3A_92] : memref<2x2048xf32, #tpu.memory_space<vmem>>, vector<2x2048xf32>
      tpu.vector_store %arg14[%swap3A_91, %swap3A_92], %concatenate3A_90 {strides = array<i32>} : memref<2x2048xf32, #tpu.memory_space<vmem>>, vector<2x2048xf32>,
      %iota3A_94 = tpu.iota {dimensions = array<i32: 0>} : vector<64x256xi32>
      %iota3A_95 = tpu.iota {dimensions = array<i32: 0>} : vector<256x256xi32>
      %iota3A_96 = tpu.iota {dimensions = array<i32: 1>} : vector<256x256xi32>
      %le3A = arith.cmpi sle, %iota3A_95, %iota3A_96 : vector<256x256xi32>
      %convert_element_type3A_97 = arith.extui %le3A : vector<256x256xi1> to vector<256x256xi32>
      %convert_element_type3A_98 = arith.sitofp %convert_element_type3A_97 : vector<256x256xi32> to vector<256x256xf32>
      %broadcast_in_dim3A_99 = arith.constant 0.000000e+00 : f32
      %broadcast_in_dim3A_100 = vector.broadcast %broadcast_in_dim3A_99 : f32 to vector<64x1xf32>
      %scan3A = arith.constant 0 : i32
      %scan3A_101 = arith.constant 16 : i32
      %scan3A_102 = arith.addi %scan3A, %scan3A_101 : i32
      %scan3A_103 = arith.constant 1 : i32
      %scan3A_104 = scf.for %scan3A_106 = %scan3A to %scan3A_102 step %scan3A_103 iter_args(%scan3A_107 = %broadcast_in_dim3A_100) -> (vector<64x1xf32>)  : i32 {
        %jit3A_108 = arith.constant 8 : i32
        %div3A_109 = arith.divsi %scan3A_106, %jit3A_108 : i32
        %sign3A = arith.constant 0 : i32
        %sign3A_110 = arith.cmpi sgt, %scan3A_106, %sign3A : i32
        %sign3A_111 = arith.extui %sign3A_110 : i1 to i32
        %sign3A_112 = arith.constant 0 : i32
        %sign3A_113 = arith.cmpi slt, %scan3A_106, %sign3A_112 : i32
        %sign3A_114 = arith.extui %sign3A_113 : i1 to i32
        %sign3A_115 = arith.subi %sign3A_111, %sign3A_114 : i32
        %sign3A_116 = arith.constant 0 : i32
        %sign3A_117 = arith.cmpi sgt, %jit3A_108, %sign3A_116 : i32
        %sign3A_118 = arith.extui %sign3A_117 : i1 to i32
        %sign3A_119 = arith.constant 0 : i32
        %sign3A_120 = arith.cmpi slt, %jit3A_108, %sign3A_119 : i32
        %sign3A_121 = arith.extui %sign3A_120 : i1 to i32
        %sign3A_122 = arith.subi %sign3A_118, %sign3A_121 : i32
        %ne3A = arith.cmpi ne, %sign3A_115, %sign3A_122 : i32
        %rem3A = arith.remsi %scan3A_106, %jit3A_108 : i32
        %ne3A_123 = arith.constant 0 : i32
        %ne3A_124 = arith.cmpi ne, %rem3A, %ne3A_123 : i32
        %and3A = arith.andi %ne3A, %ne3A_124 : i1
        %sub3A_125 = arith.constant 1 : i32
        %sub3A_126 = arith.subi %div3A_109, %sub3A_125 : i32
        %select_n3A_127 = arith.select %and3A, %sub3A_126, %div3A_109 : i32
        %jit3A_128 = arith.constant 8 : i32
        %eq3A_129 = arith.constant 0 : i32
        %eq3A_130 = arith.cmpi eq, %jit3A_128, %eq3A_129 : i32
        %jit3A_131 = arith.constant 1 : i32
        %select_n3A_132 = arith.select %eq3A_130, %jit3A_131, %jit3A_128 : i32
        %rem3A_133 = arith.remsi %scan3A_106, %select_n3A_132 : i32
        %ne3A_134 = arith.constant 0 : i32
        %ne3A_135 = arith.cmpi ne, %rem3A_133, %ne3A_134 : i32
        %lt3A = arith.constant 0 : i32
        %lt3A_136 = arith.cmpi slt, %rem3A_133, %lt3A : i32
        %lt3A_137 = arith.constant 0 : i32
        %lt3A_138 = arith.cmpi slt, %select_n3A_132, %lt3A_137 : i32
        %ne3A_139 = arith.xori %lt3A_136, %lt3A_138 : i1
        %and3A_140 = arith.andi %ne3A_139, %ne3A_135 : i1
        %add3A_141 = arith.addi %rem3A_133, %select_n3A_132 : i32
        %select_n3A_142 = arith.select %and3A_140, %add3A_141, %rem3A_133 : i32
        %mul3A_143 = arith.constant 256 : i32
        %mul3A_144 = arith.muli %select_n3A_142, %mul3A_143 : i32
        %get3A_145 = arith.index_cast %select_n3A_127 : i32 to index
        %get3A_146 = arith.index_cast %mul3A_144 : i32 to index
        %get3A_147 = vector.load %arg13[%get3A_145, %get3A_146] : memref<2x2048xi32, #tpu.memory_space<vmem>>, vector<1x256xi32>
        %get3A_148 = arith.index_cast %select_n3A_127 : i32 to index
        %get3A_149 = arith.index_cast %mul3A_144 : i32 to index
        %get3A_150 = vector.load %arg14[%get3A_148, %get3A_149] : memref<2x2048xf32, #tpu.memory_space<vmem>>, vector<1x256xf32>
        %eq3A_151 = vector.broadcast %get3A_147 : vector<1x256xi32> to vector<64x256xi32>
        %eq3A_152 = arith.cmpi eq, %iota3A_94, %eq3A_151 : vector<64x256xi32>
        %convert_element_type3A_153 = arith.extui %eq3A_152 : vector<64x256xi1> to vector<64x256xi32>
        %convert_element_type3A_154 = arith.sitofp %convert_element_type3A_153 : vector<64x256xi32> to vector<64x256xf32>
        %dot_general3A_155 = arith.constant dense<0.000000e+00> : vector<64x256xf32>
        %dot_general3A_156 = tpu.matmul %convert_element_type3A_154, %convert_element_type3A_98, %dot_general3A_155 {dimension_numbers = #tpu.dot_dimension_numbers<[1], [0], [0], [1], [0, 0, 1, 1], [], []>, transpose_lhs_hint = false} : vector<64x256xf32>, vector<256x256xf32>, vector<64x256xf32> -> vector<64x256xf32>
        %add3A_157 = vector.broadcast %scan3A_107 : vector<64x1xf32> to vector<64x256xf32>
        %add3A_158 = arith.addf %add3A_157, %dot_general3A_156 : vector<64x256xf32>
        %mul3A_159 = arith.mulf %add3A_158, %convert_element_type3A_154 : vector<64x256xf32>
        %reduce_sum3A_160 = arith.constant dense<0.000000e+00> : vector<256xf32>
        %reduce_sum3A_161 = vector.multi_reduction <add>, %mul3A_159, %reduce_sum3A_160 [0] : vector<64x256xf32> to vector<256xf32>
        %broadcast_in_dim3A_162 = vector.shape_cast %reduce_sum3A_161 : vector<256xf32> to vector<1x256xf32>
        %sub3A_163 = arith.constant 1.000000e+00 : f32
        %sub3A_164 = vector.broadcast %sub3A_163 : f32 to vector<1x256xf32>
        %sub3A_165 = arith.subf %broadcast_in_dim3A_162, %sub3A_164 : vector<1x256xf32>
        %convert_element_type3A_166 = arith.fptosi %sub3A_165 : vector<1x256xf32> to vector<1x256xi32>
        %lt3A_167 = arith.constant 80 : i32
        %lt3A_168 = vector.broadcast %lt3A_167 : i32 to vector<1x256xi32>
        %lt3A_169 = arith.cmpi slt, %convert_element_type3A_166, %lt3A_168 : vector<1x256xi32>
        %mul3A_170 = arith.constant 80 : i32
        %mul3A_171 = vector.broadcast %mul3A_170 : i32 to vector<1x256xi32>
        %mul3A_172 = arith.muli %get3A_147, %mul3A_171 : vector<1x256xi32>
        %jit3A_173 = arith.constant 0 : i32
        %broadcast_in_dim3A_174 = vector.broadcast %jit3A_173 : i32 to vector<1x256xi32>
        %select_n3A_175 = arith.select %lt3A_169, %convert_element_type3A_166, %broadcast_in_dim3A_174 : vector<1x256xi1>, vector<1x256xi32>
        %add3A_176 = arith.addi %mul3A_172, %select_n3A_175 : vector<1x256xi32>
        %jit3A_177 = arith.constant 5120 : i32
        %broadcast_in_dim3A_178 = vector.broadcast %jit3A_177 : i32 to vector<1x256xi32>
        %select_n3A_179 = arith.select %lt3A_169, %add3A_176, %broadcast_in_dim3A_178 : vector<1x256xi1>, vector<1x256xi32>
        %swap3A_180 = arith.index_cast %select_n3A_127 : i32 to index
        %swap3A_181 = arith.index_cast %mul3A_144 : i32 to index
        %swap3A_182 = vector.load %arg9[%swap3A_180, %swap3A_181] : memref<2x2048xi32, #tpu.memory_space<vmem>>, vector<1x256xi32>
        tpu.vector_store %arg9[%swap3A_180, %swap3A_181], %select_n3A_179 {strides = array<i32>} : memref<2x2048xi32, #tpu.memory_space<vmem>>, vector<1x256xi32>,
        %jit3A_183 = arith.constant 0 : i32
        %broadcast_in_dim3A_184 = vector.broadcast %jit3A_183 : i32 to vector<1x256xi32>
        %select_n3A_185 = arith.select %lt3A_169, %add3A_176, %broadcast_in_dim3A_184 : vector<1x256xi1>, vector<1x256xi32>
        %swap3A_186 = arith.index_cast %select_n3A_127 : i32 to index
        %swap3A_187 = arith.index_cast %mul3A_144 : i32 to index
        %swap3A_188 = vector.load %arg10[%swap3A_186, %swap3A_187] : memref<2x2048xi32, #tpu.memory_space<vmem>>, vector<1x256xi32>
        tpu.vector_store %arg10[%swap3A_186, %swap3A_187], %select_n3A_185 {strides = array<i32>} : memref<2x2048xi32, #tpu.memory_space<vmem>>, vector<1x256xi32>,
        %jit3A_189 = arith.constant 0.000000e+00 : f32
        %broadcast_in_dim3A_190 = vector.broadcast %jit3A_189 : f32 to vector<1x256xf32>
        %select_n3A_191 = arith.select %lt3A_169, %get3A_150, %broadcast_in_dim3A_190 : vector<1x256xi1>, vector<1x256xf32>
        %swap3A_192 = arith.index_cast %select_n3A_127 : i32 to index
        %swap3A_193 = arith.index_cast %mul3A_144 : i32 to index
        %swap3A_194 = vector.load %arg11[%swap3A_192, %swap3A_193] : memref<2x2048xf32, #tpu.memory_space<vmem>>, vector<1x256xf32>
        tpu.vector_store %arg11[%swap3A_192, %swap3A_193], %select_n3A_191 {strides = array<i32>} : memref<2x2048xf32, #tpu.memory_space<vmem>>, vector<1x256xf32>,
        %slice3A = vector.extract_strided_slice %add3A_158 {offsets = [0, 255], sizes = [64, 1], strides = [1, 1]} : vector<64x256xf32> to vector<64x1xf32>
        scf.yield %slice3A : vector<64x1xf32>
      }
      %scan3A_105 = arith.constant 16 : i32
    } else {
    }
    return
  }
  func.func @transform_0(%arg0: i32) -> (i32, i32) {
    %c0_i32 = arith.constant 0 : i32
    %c0_i32_0 = arith.constant 0 : i32
    return %arg0, %c0_i32 : i32, i32
  }
  func.func @transform_1(%arg0: i32) -> (i32, i32) {
    %c0_i32 = arith.constant 0 : i32
    %c0_i32_0 = arith.constant 0 : i32
    %c0_i32_1 = arith.constant 0 : i32
    return %c0_i32, %c0_i32_0 : i32, i32
  }
  func.func @transform_2(%arg0: i32) -> (i32, i32) {
    %c0_i32 = arith.constant 0 : i32
    %c0_i32_0 = arith.constant 0 : i32
    return %arg0, %c0_i32 : i32, i32
  }
  func.func @transform_3(%arg0: i32) -> (i32, i32) {
    %c0_i32 = arith.constant 0 : i32
    %c0_i32_0 = arith.constant 0 : i32
    %c0_i32_1 = arith.constant 0 : i32
    return %c0_i32, %c0_i32_0 : i32, i32
  }
  func.func @transform_4(%arg0: i32) -> (i32, i32) {
    %c0_i32 = arith.constant 0 : i32
    %c0_i32_0 = arith.constant 0 : i32
    %c0_i32_1 = arith.constant 0 : i32
    return %c0_i32, %c0_i32_0 : i32, i32
  }
  func.func @transform_5(%arg0: i32) -> (i32, i32) {
    %c0_i32 = arith.constant 0 : i32
    %c0_i32_0 = arith.constant 0 : i32
    %c0_i32_1 = arith.constant 0 : i32
    return %c0_i32, %c0_i32_0 : i32, i32
  }
  func.func @transform_6(%arg0: i32) -> (i32, i32) {
    %c0_i32 = arith.constant 0 : i32
    %c0_i32_0 = arith.constant 0 : i32
    return %arg0, %c0_i32 : i32, i32
  }
  func.func @transform_7(%arg0: i32) -> (i32, i32) {
    %c0_i32 = arith.constant 0 : i32
    %c0_i32_0 = arith.constant 0 : i32
    return %arg0, %c0_i32 : i32, i32
  }
  func.func @transform_8(%arg0: i32) -> (i32, i32) {
    %c0_i32 = arith.constant 0 : i32
    %c0_i32_0 = arith.constant 0 : i32
    %c0_i32_1 = arith.constant 0 : i32
    return %c0_i32, %c0_i32_0 : i32, i32
  }
  func.func @transform_9(%arg0: i32) -> (i32, i32) {
    %c0_i32 = arith.constant 0 : i32
    %c0_i32_0 = arith.constant 0 : i32
    %c0_i32_1 = arith.constant 0 : i32
    return %c0_i32, %c0_i32_0 : i32, i32
  }
  func.func @transform_10(%arg0: i32) -> (i32, i32) {
    %c0_i32 = arith.constant 0 : i32
    %c0_i32_0 = arith.constant 0 : i32
    %c0_i32_1 = arith.constant 0 : i32
    return %c0_i32, %c0_i32_0 : i32, i32
  }
}

module attributes {stable_mosaic.version = 14 : i64} {
  func.func @_ffn_body(%arg0: i32, %arg1: memref<80x1024xf32, #tpu.memory_space<vmem>>, %arg2: memref<1x1024x1024xf32, #tpu.memory_space<vmem>>, %arg3: memref<1x1024x1024xf32, #tpu.memory_space<vmem>>, %arg4: memref<80x1024xf32, #tpu.memory_space<vmem>>) attributes {dimension_semantics = [#tpu.dimension_semantics<arbitrary>], iteration_bounds = array<i64: 64>, scalar_prefetch = 0 : i64, scratch_operands = 0 : i64, tpu.core_type = #tpu.core_type<tc>, window_params = [{transform_indices = @transform_0, window_bounds = array<i64: 80, 1024>}, {transform_indices = @transform_1, window_bounds = array<i64: 1, 1024, 1024>}, {transform_indices = @transform_2, window_bounds = array<i64: 1, 1024, 1024>}, {transform_indices = @transform_3, window_bounds = array<i64: 80, 1024>}]} {
    %get3A = arith.constant 0 : index
    %get3A_0 = arith.constant 0 : index
    %get3A_1 = vector.load %arg1[%get3A, %get3A_0] : memref<80x1024xf32, #tpu.memory_space<vmem>>, vector<80x1024xf32>
    %get3A_2 = arith.constant 0 : index
    %get3A_3 = arith.constant 0 : index
    %get3A_4 = arith.constant 0 : index
    %get3A_5 = vector.load %arg2[%get3A_2, %get3A_3, %get3A_4] : memref<1x1024x1024xf32, #tpu.memory_space<vmem>>, vector<1x1024x1024xf32>
    %get3A_6 = vector.shape_cast %get3A_5 : vector<1x1024x1024xf32> to vector<1024x1024xf32>
    %dot_general3A = arith.constant dense<0.000000e+00> : vector<80x1024xf32>
    %dot_general3A_7 = tpu.matmul %get3A_1, %get3A_6, %dot_general3A {dimension_numbers = #tpu.dot_dimension_numbers<[1], [1], [0], [0], [0, 0, 1, 0], [], []>, transpose_lhs_hint = false} : vector<80x1024xf32>, vector<1024x1024xf32>, vector<80x1024xf32> -> vector<80x1024xf32>
    %logistic3A = arith.negf %dot_general3A_7 : vector<80x1024xf32>
    %logistic3A_8 = math.exp %logistic3A : vector<80x1024xf32>
    %logistic3A_9 = arith.constant 1.000000e+00 : f32
    %logistic3A_10 = vector.broadcast %logistic3A_9 : f32 to vector<80x1024xf32>
    %logistic3A_11 = arith.addf %logistic3A_10, %logistic3A_8 : vector<80x1024xf32>
    %logistic3A_12 = arith.divf %logistic3A_10, %logistic3A_11 : vector<80x1024xf32>
    %mul3A = arith.mulf %dot_general3A_7, %logistic3A_12 : vector<80x1024xf32>
    %get3A_13 = arith.constant 0 : index
    %get3A_14 = arith.constant 0 : index
    %get3A_15 = arith.constant 0 : index
    %get3A_16 = vector.load %arg3[%get3A_13, %get3A_14, %get3A_15] : memref<1x1024x1024xf32, #tpu.memory_space<vmem>>, vector<1x1024x1024xf32>
    %get3A_17 = vector.shape_cast %get3A_16 : vector<1x1024x1024xf32> to vector<1024x1024xf32>
    %dot_general3A_18 = arith.constant dense<0.000000e+00> : vector<80x1024xf32>
    %dot_general3A_19 = tpu.matmul %mul3A, %get3A_17, %dot_general3A_18 {dimension_numbers = #tpu.dot_dimension_numbers<[1], [1], [0], [0], [0, 0, 1, 0], [], []>, transpose_lhs_hint = false} : vector<80x1024xf32>, vector<1024x1024xf32>, vector<80x1024xf32> -> vector<80x1024xf32>
    %swap3A = arith.constant 0 : index
    %swap3A_20 = arith.constant 0 : index
    %swap3A_21 = vector.load %arg4[%swap3A, %swap3A_20] : memref<80x1024xf32, #tpu.memory_space<vmem>>, vector<80x1024xf32>
    tpu.vector_store %arg4[%swap3A, %swap3A_20], %dot_general3A_19 {strides = array<i32>} : memref<80x1024xf32, #tpu.memory_space<vmem>>, vector<80x1024xf32>,
    return
  }
  func.func @transform_0(%arg0: i32) -> (i32, i32) {
    %c0_i32 = arith.constant 0 : i32
    %c0_i32_0 = arith.constant 0 : i32
    return %arg0, %c0_i32 : i32, i32
  }
  func.func @transform_1(%arg0: i32) -> (i32, i32, i32) {
    %c0_i32 = arith.constant 0 : i32
    %c0_i32_0 = arith.constant 0 : i32
    %c0_i32_1 = arith.constant 0 : i32
    return %arg0, %c0_i32, %c0_i32_0 : i32, i32, i32
  }
  func.func @transform_2(%arg0: i32) -> (i32, i32, i32) {
    %c0_i32 = arith.constant 0 : i32
    %c0_i32_0 = arith.constant 0 : i32
    %c0_i32_1 = arith.constant 0 : i32
    return %arg0, %c0_i32, %c0_i32_0 : i32, i32, i32
  }
  func.func @transform_3(%arg0: i32) -> (i32, i32) {
    %c0_i32 = arith.constant 0 : i32
    %c0_i32_0 = arith.constant 0 : i32
    return %arg0, %c0_i32 : i32, i32
  }
}

</mosaic_0001>

<sc_bundles>
// kernel: kernel.11.cloned.1.call-start
scs
__scs_entry_jumppad:
0x0: {  	(pc) =	sbr.rel $0x88, $3  }
0x1: {  	(tag) =	ssettag $0x0;
	lr =	simm.s32 $0x1  }
0x2: {  	[smem:$0x3F97] =	sst lr;
	_ =	strace $0xD0000000  }
0x3: {  	_ = 	snop  }
0x4: {  	_ = 	snop  }
0x5: {  	_ = 	snop  }
0x6: {  	_ = 	snop  }
0x7: {  	_ = 	snop  }
__scs_overlays_trampoline_lowered:
0x8: {  	[smem:$0x3FA6] =	sst s0  }
0x9: {  	[smem:$0x3FA7] =	sst s1  }
0xa: {  	[smem:$0x3FA8] =	sst s2  }
0xb: {  	[smem:$0x3FA9] =	sst s3  }
0xc: {  	[smem:$0x3FAA] =	sst s4  }
0xd: {  	[smem:$0x3FAB] =	sst s5  }
0xe: {  	[smem:$0x3FAC] =	sst s6  }
0xf: {  	[smem:$0x3FAD] =	sst s7  }
0x10: {  	[smem:$0x3FAE] =	sst s8  }
0x11: {  	[smem:$0x3FAF] =	sst s9;
	s0 =	simm.s32 @!p0 $0x0  }
0x12: {  	s1 =	sld [smem:$0x3F95];
	s0 =	simm.s32 @p0 $0x1  }
0x13: {  	[smem:$0x3FB0] =	sst s0;
	s0 =	simm.s32 @!p1 $0x0  }
0x14: {  	s2 =	sld [smem:$0x3F94];
	s0 =	simm.s32 @p1 $0x1  }
0x15: {  	[smem:$0x3FB1] =	sst s0;
	s0 =	simm.s32 @!p2 $0x0  }
0x16: {  	s3 =	sld [smem:$0x3FDB];
	s0 =	simm.s32 @p2 $0x1  }
0x17: {  	s4 =	simm.s32 $0x1BF5;
	[smem:$0x3FB3] =	sst s0  }
0x18: {  	s0 =	sld [smem:$0x3F96];
	_ =	swait.ge [sflag:s4], $0x0  }
0x19: {  	s7 =	sld [smem:$0x3F97]  }
0x1a: {  	s8 =	sadd.s32 $0xFFFFE003, lr  }
0x1b: {  	s9 =	sadd.s32 $0xFFFFFEF7, lr;
	s5 =	simm.s32 $0xFFFFFFFF;
	p2 =	slt.u32 s8, $0xFFFFF086  }
0x1c: {  	p1 =	slt.u32 s9, $0xF7A;
	s5 =	simm.s32 @!p2 $0x0  }
0x1d: {  	s5 =	simm.s32 @p1 $0x1;
	p0 =	seq.s32 s7, s2  }
0x1e: {  	s7 =	smul.u32 @!p0 $0xF7A, s2;
	p2 =	seq.s32 @!p0 s5, $0x0  }
0x1f: {  	s9 =	smul.u32 $0xF7A, s1;
	s8 =	simm.s32 @!p0 $0x1BF5;
	p2 =	por !p2, p0  }
0x20: {  	[sflag:s8] =	ssyncset.s32 @!p0 $0xFFFFF086;
	s6 =	sadd.s32 @!p0 s3, s7;
	s7 =	simm.s32 @!p0 $0x108  }
0x21: {  	s3 =	sadd.s32 s3, s9;
	s6 =	sadd.s32 @!p0 $0x88, s6;
	s7 =	simm.s32 @p2 $0x1082  }
0x22: {  	[simem:s7], [sflag:s8] =	dma.local @!p0 [hbm:s6], $0xF7A  }
0x23: {  	s9 =	sor.u32 $0xD0000000, s2;
	s6 =	simm.s32 $0x108;
	_ =	swait.ge @!p0 [sflag:s8], $0x0  }
0x24: {  	s3 =	sadd.s32 $0x88, s3;
	s6 =	simm.s32 @!p1 $0x1082;
	[sflag:s4] =	ssyncset.s32 $0xFFFFF086  }
0x25: {  	[simem:s6], [sflag:s4] =	dma.local [hbm:s3], $0xF7A  }
0x26: {  	[smem:$0x3F97] =	sst s1;
	(tag) =	ssettag s2;
	_ =	strace s9  }
0x27: {  	s1 =	sld [smem:$0x3FA7]  }
0x28: {  	s2 =	sld [smem:$0x3FA8]  }
0x29: {  	s4 =	sld [smem:$0x3FAA]  }
0x2a: {  	p0 =	seq.s32 s5, $0x0;
	s5 =	sld [smem:$0x3FAB]  }
0x2b: {  	s6 =	sld [smem:$0x3FAC]  }
0x2c: {  	s7 =	sld [smem:$0x3FAD]  }
0x2d: {  	s3 =	simm.s32 $0x108;
	s8 =	sld [smem:$0x3FAE]  }
0x2e: {  	s3 =	simm.s32 @!p0 $0x1082;
	s9 =	sld [smem:$0x3FAF]  }
0x2f: {  	lr =	sadd.s32 s0, s3;
	s0 =	sld [smem:$0x3FA6]  }
0x30: {  	s3 =	sld [smem:$0x3FA9]  }
0x31: {  	[smem:$0x3FB2] =	sst s10  }
0x32: {  	s10 =	sld [smem:$0x3FB0];
	_ =	sdelay $0x3  }
0x33: {  	p0 =	seq.s32 s10, $0x1;
	s10 =	sld [smem:$0x3FB2];
	_ =	sdelay $0x3  }
0x34: {  	[smem:$0x3FB2] =	sst s10  }
0x35: {  	s10 =	sld [smem:$0x3FB1];
	_ =	sdelay $0x3  }
0x36: {  	p1 =	seq.s32 s10, $0x1;
	s10 =	sld [smem:$0x3FB2];
	_ =	sdelay $0x3  }
0x37: {  	[smem:$0x3FB2] =	sst s10  }
0x38: {  	s10 =	sld [smem:$0x3FB3]  }
0x39: {  	_ = 	snop;
	(pc) =	sbr.ind lr, $3  }
0x3a: {  	_ = 	snop  }
0x3b: {  	_ = 	snop  }
0x3c: {  	p2 =	seq.s32 s10, $0x1;
	s10 =	sld [smem:$0x3FB2]  }
0x3d: {  	_ =	shalt  }
0x3e: {  	_ =	shalt  }
0x3f: {  	_ =	shalt  }
0x40: {  	_ =	shalt  }
0x41: {  	_ =	shalt  }
0x42: {  	_ =	shalt  }
0x43: {  	_ =	shalt  }
0x44: {  	_ =	shalt  }
0x45: {  	_ =	shalt  }
0x46: {  	_ =	shalt  }
0x47: {  	_ =	shalt  }
0x48: {  	_ =	shalt  }
0x49: {  	_ =	shalt  }
0x4a: {  	_ =	shalt  }
0x4b: {  	_ =	shalt  }
0x4c: {  	_ =	shalt  }
0x4d: {  	_ =	shalt  }
0x4e: {  	_ =	shalt  }
0x4f: {  	_ =	shalt  }
0x50: {  	_ =	shalt  }
0x51: {  	_ =	shalt  }
0x52: {  	_ =	shalt  }
0x53: {  	_ =	shalt  }
0x54: {  	_ =	shalt  }
0x55: {  	_ =	shalt  }
0x56: {  	_ =	shalt  }
0x57: {  	_ =	shalt  }
0x58: {  	_ =	shalt  }
0x59: {  	_ =	shalt  }
0x5a: {  	_ =	shalt  }
0x5b: {  	_ =	shalt  }
0x5c: {  	_ =	shalt  }
0x5d: {  	_ =	shalt  }
0x5e: {  	_ =	shalt  }
0x5f: {  	_ =	shalt  }
0x60: {  	_ =	shalt  }
0x61: {  	_ =	shalt  }
0x62: {  	_ =	shalt  }
0x63: {  	_ =	shalt  }
0x64: {  	_ =	shalt  }
0x65: {  	_ =	shalt  }
0x66: {  	_ =	shalt  }
0x67: {  	_ =	shalt  }
0x68: {  	_ =	shalt  }
0x69: {  	_ =	shalt  }
0x6a: {  	_ =	shalt  }
0x6b: {  	_ =	shalt  }
0x6c: {  	_ =	shalt  }
0x6d: {  	_ =	shalt  }
0x6e: {  	_ =	shalt  }
0x6f: {  	_ =	shalt  }
0x70: {  	_ =	shalt  }
0x71: {  	_ =	shalt  }
0x72: {  	_ =	shalt  }
0x73: {  	_ =	shalt  }
0x74: {  	_ =	shalt  }
0x75: {  	_ =	shalt  }
0x76: {  	_ =	shalt  }
0x77: {  	_ =	shalt  }
0x78: {  	_ =	shalt  }
0x79: {  	_ =	shalt  }
0x7a: {  	_ =	shalt  }
0x7b: {  	_ =	shalt  }
0x7c: {  	_ =	shalt  }
0x7d: {  	_ =	shalt  }
0x7e: {  	_ =	shalt  }
0x7f: {  	_ =	shalt  }
0x80: {  	_ =	shalt  }
0x81: {  	_ =	shalt  }
0x82: {  	_ =	shalt  }
0x83: {  	_ =	shalt  }
0x84: {  	_ =	shalt  }
0x85: {  	_ =	shalt  }
0x86: {  	_ =	shalt  }
0x87: {  	_ =	shalt  }
.Lfunc_end0:
.L_simem_size_0:
called_computation.1_lowered:
.L_overlay_start_0:
0x88: {  	s2 =	sld [smem:$0x3FD9]  }
0x89: {  	s3 =	sld [smem:$0x3FFE];
	_ =	sdelay $0x1  }
0x8a: {  	s1 =	srdreg.scid  }
0x8b: {  	s0 =	sand.u32 $0x1, s1  }
0x8c: {  	s17 =	sshll.u32 s0, $0xA;
	s2 =	sadd.s32 s3, s2  }
0x8d: {  	s2 =	sadd.s32 s2, s17  }
0x8e: {  	[smem:$0x3FBE] =	sst s2  }
0x8f: {  	_ = 	snop  }
0x90: {  	s2 =	sld [smem:$0x3FD0];
	(tm) =	ssettm $0x1  }
0x91: {  	s18 =	sld [smem:$0x3FFB];
	_ =	sdelay $0x3  }
0x92: {  	_ =	strace s18  }
0x93: {  	s3 =	sld [smem:$0x3FFC];
	_ =	sdelay $0x3  }
0x94: {  	_ =	strace s3  }
0x95: {  	s3 =	sld [smem:$0x3FFD];
	_ =	sdelay $0x3  }
0x96: {  	_ =	strace s3  }
0x97: {  	_ =	strace $0x8FFFFFFF  }
0x98: {  	s19 =	sld [smem:$0x3FDB];
	_ =	sdelay $0x1  }
0x99: {  	s4 =	simm.s32 $_scs_section_size  }
0x9a: {  	s5 =	simm.s32 $_size__tile_overlayer_lowered;
	s6 =	simm.s32 $_tile_overlayer_lowered  }
0x9b: {  	s22 =	simm.s32 $0x1BFF;
	s21 =	sshll.u32 s6, $0x1;
	s3 =	sadd.s32 s4, s19  }
0x9c: {  	s7 =	simm.s32 $0x0;
	s20 =	sshll.u32 s5, $0x1;
	s5 =	sadd.s32 s21, s3  }
0x9d: {  	[timem:s7], [sflag:s22] =	dma.local [hbm:s5], s20  }
0x9e: {  	_ =	swait.ge [sflag:s22], s20  }
0x9f: {  	s4 =	ssub.s32 $0x0, s20;
	[sflag:s22] =	ssyncset.done $0x0  }
0xa0: {  	[sflag:s22] =	ssyncadd.s32 s4;
	_ =	sdelay $0x1  }
0xa1: {  	s23 =	simm.s32 $0x1B8B  }
0xa2: {  	_ =	swait.ge [sflag:s23], $0x1  }
0xa3: {  	[sflag:s23] =	ssyncset.done $0x0  }
0xa4: {  	s25 =	simm.s32 $0x1B8E;
	s24 =	sld [smem:$0x3FFE];
	[sflag:s23] =	ssyncadd.s32 $0xFFFFFFFF  }
0xa5: {  	s26 =	simm.s32 $execute0_lowered;
	[smem:$0x3FD2] =	sst s25  }
0xa6: {  	s5 =	sshll.u32 s26, $0x1;
	_ =	strace $0x80000049;
	[dreg:$0x1] =	wrdreg $0xFFFFFFFF  }
0xa7: {  	s28 =	simm.s32 $_size_execute0_lowered;
	s3 =	sadd.s32 s3, s5;
	[dreg:$0x0] =	wrdreg $0x0  }
0xa8: {  	s5 =	sshll.u32 s28, $0x1;
	[dreg:$0x2] =	wrdreg s3  }
0xa9: {  	[dreg:$0x3] =	wrdreg s5  }
0xaa: {  	[dreg:$0x4] =	wrdreg $0xC0  }
0xab: {  	_ =	task [dreg:s7], $0x5FFFF  }
0xac: {  	[dreg:$0x1] =	wrdreg $0xFFFFFFFF  }
0xad: {  	[dreg:$0x0] =	wrdreg $0x60  }
0xae: {  	[dreg:$0x2] =	wrdreg s24  }
0xaf: {  	[dreg:$0x3] =	wrdreg s2  }
0xb0: {  	[dreg:$0x4] =	wrdreg $0x9  }
0xb1: {  	_ =	task.clear_ibuf [dreg:s7], $0x5FFFF;
	_ =	strace $0x90000049  }
0xb2: {  	s29 =	simm.s32 $0x9;
	_ =	strace $0x8000004B  }
0xb3: {  	_ =	swait.ge [sflag:s29], $0x1  }
0xb4: {  	[sflag:s29] =	ssyncadd.s32 $0xFFFFFFFF  }
0xb5: {  	_ =	strace $0x9000004B  }
0xb6: {  	_ =	sfence  }
0xb7: {  	s30 =	sld [smem:$0x0];
	_ =	sdelay $0x2  }
0xb8: {  	s31 =	sshll.u32 s1, $0xD;
	s1 =	sshrl.u32 s1, $0x2  }
0xb9: {  	s3 =	sand.u32 $0x4000, s31;
	s1 =	sadd.s32 s1, s30  }
0xba: {  	s0 =	sor.u32 s3, s0;
	s1 =	sshll.u32 s1, $0x11  }
0xbb: {  	s0 =	sor.u32 s1, s0  }
0xbc: {  	s0 =	sadd.s32 $0x8F2B, s0  }
0xbd: {  	[sflag:s0] =	ssyncadd.remote.s32 $0x1  }
0xbe: {  	_ =	sfence.sel $0xFFFF  }
0xbf: {  	[dreg:$0x0] =	wrdreg $0xFFFFFFFF;
	(pc) =	sbr.abs _section_cstart, $3  }
0xc0: {  	[dreg:$0x1] =	wrdreg $0xFFFFFFFF  }
0xc1: {  	_ =	task.clear_ibuf [dreg:s7], $0x2FFFF;
	_ =	strace $0x9FFFFFFF  }
0xc2: {  	(tm) =	ssettm $0x7FFFFFFF  }
0xc3: {  	_ =	shalt  }
tec
execute0_lowered:
.L_overlay_start_1:
0x0: {  	(tag) =	ssettag $0x1  }
0x1: {  	s0 =	rddreg [dreg:$0x0]  }
0x2: {  	s1 =	rddreg [dreg:$0x1];
	s2 =	simm.s32 $0x0  }
0x3: {  	s3 =	srdreg.scid;
	s5 =	stileid.u32;
	s28 =	simm.s32 $0xBA00  }
0x4: {  	s29 =	simm.s32 $0xCA00;
	s30 =	simm.s32 $0xD200;
	s31 =	simm.s32 $0xDA00  }
0x5: {  	[smem:$0x7FF] =	sst s2;
	s4 =	sand.u32 $0x1, s3;
	s14 =	sshll.u32 s5, $0x7  }
0x6: {  	s6 =	sadd.s32 $0x42A00, s0;
	s7 =	sadd.s32 $0x42C00, s0;
	s3 =	sadd.s32 $0x42E00, s0  }
0x7: {  	s12 =	sadd.s32 $0x2A00, s0;
	s15 =	sshll.u32 s4, $0x6;
	s4 =	ssub.s32 $0x2, s4  }
0x8: {  	_ =	strace $0x8000004A;
	s8 =	sor.u32 s15, s14;
	s10 =	sshrl.u32 s4, $0x1  }
0x9: {  	s11 =	sshll.u32 s8, $0x1;
	s4 =	ssub.s32 s4, s10;
	s19 =	sshll.u32 s8, $0x7  }
0xa: {  	s8 =	sor.u32 $0x20, s8;
	s10 =	sadd.s32 $0x43000, s0;
	s13 =	sand.u32 $0xF00, s11  }
0xb: {  	s9 =	sor.u32 s15, s11;
	s20 =	sadd.s32 s1, s19;
	s14 =	sand.u32 $0x60, s8  }
0xc: {  	s25 =	sshll.u32 s8, $0x7;
	s26 =	smax.u32 s4, $0x1;
	s4 =	simm.s32 $0xF200  }
0xd: {  	s8 =	simm.s32 $0x3;
	s5 =	sor.u32 s15, s13;
	s9 =	sshrl.u32 s9, $0x3  }
0xe: {  	[dreg:$0x7] =	wrdreg s20;
	s13 =	sor.u32 s14, s13;
	s14 =	sor.u32 s11, s14  }
0xf: {  	s11 =	sadd.s32 $0x43100, s0;
	s1 =	sadd.s32 s1, s25;
	[dreg:$0xf] =	wrdreg s26  }
0x10: {  	s20 =	simm.s32 $0x4;
	s5 =	sshrl.u32 s5, $0x3;
	s9 =	sor.u32 $0x10, s9  }
0x11: {  	s21 =	sshrl.u32 s13, $0x3;
	[dreg:$0xd] =	wrdreg s1;
	s16 =	sadd.s32 s6, s5  }
0x12: {  	s22 =	sshrl.u32 s14, $0x3;
	s17 =	sadd.s32 s6, s9;
	[dreg:$0x3] =	wrdreg s16  }
0x13: {  	s1 =	simm.s32 $0xEA00;
	s5 =	sadd.s32 s7, s5;
	[dreg:$0x4] =	wrdreg s17  }
0x14: {  	s18 =	sadd.s32 s7, s9;
	s9 =	sadd.s32 $0x42F00, s0;
	[dreg:$0x5] =	wrdreg s5  }
0x15: {  	s23 =	sadd.s32 s6, s21;
	s24 =	sor.u32 $0x10, s22;
	[dreg:$0x6] =	wrdreg s18  }
0x16: {  	s0 =	sadd.s32 s7, s21;
	s22 =	simm.s32 $0x100;
	[dreg:$0x9] =	wrdreg s23  }
0x17: {  	s5 =	sadd.s32 s12, s19;
	s6 =	sadd.s32 s6, s24;
	[dreg:$0xb] =	wrdreg s0  }
0x18: {  	s0 =	sadd.s32 s12, s25;
	s18 =	simm.s32 $0x80;
	[dreg:$0x8] =	wrdreg s5  }
0x19: {  	s23 =	simm.s32 $0x180;
	s19 =	simm.s32 $0xC200;
	[dreg:$0xa] =	wrdreg s6  }
0x1a: {  	v2 =	vlaneseq.u32;
	s12 =	simm.s32 $0x0;
	s5 =	sadd.s32 s7, s24;
	[dreg:$0xe] =	wrdreg s0  }
0x1b: {  	vm0 =	vmmov $0xffff;
	v1 =	vshrl.u32 v2, $0x3;
	s24 =	simm.s32 $0x10200;
	s0 =	simm.s32 $0xE200;
	s6 =	simm.s32 $0x1  }
0x1c: {  	v0 =	vand.u32 $0x7, v2;
	v2 =	vor.u32 $0x8, v2;
	v1 =	vmul.u32 $0x8, v1;
	s7 =	simm.s32 $0x2;
	[dreg:$0xc] =	wrdreg s5;
	s5 =	simm.s32 $0xFA00  }
.LBB2_1:
0x1d: {  	s13 =	rddreg [dreg:$0x3]  }
0x1e: {  	[tilespmem:s2], [sflag:$0x4] =	stream.linear.gather [hbm4b:s13+s2], $0x20, $0x38;
	[tilespmem:$0x18200] =	vst v63  }
0x1f: {  	_ =	swait.ge [sflag:s20], $0x20  }
0x20: {  	[sflag:s20] =	ssyncset.done $0x0  }
0x21: {  	s15 =	rddreg [dreg:$0x4];
	[sflag:s20] =	ssyncadd.s32 $0xFFFFFFE0  }
0x22: {  	[tilespmem:s18], [sflag:$0x4] =	stream.linear.gather [hbm4b:s15+s2], $0x20, $0x38;
	[tilespmem:$0x18200] =	vst v63  }
0x23: {  	_ =	swait.ge [sflag:s20], $0x20  }
0x24: {  	[sflag:s20] =	ssyncset.done $0x0  }
0x25: {  	s16 =	rddreg [dreg:$0x5];
	[sflag:s20] =	ssyncadd.s32 $0xFFFFFFE0  }
0x26: {  	[tilespmem:s22], [sflag:$0x4] =	stream.linear.gather [hbm4b:s16+s2], $0x20, $0x38;
	[tilespmem:$0x18200] =	vst v63  }
0x27: {  	_ =	swait.ge [sflag:s20], $0x20  }
0x28: {  	[sflag:s20] =	ssyncset.done $0x0  }
0x29: {  	s17 =	rddreg [dreg:$0x6];
	[sflag:s20] =	ssyncadd.s32 $0xFFFFFFE0  }
0x2a: {  	[tilespmem:s23], [sflag:$0x4] =	stream.linear.gather [hbm4b:s17+s2], $0x20, $0x38;
	[tilespmem:$0x18200] =	vst v63  }
0x2b: {  	_ =	swait.ge [sflag:s20], $0x20  }
0x2c: {  	[sflag:s20] =	ssyncset.done $0x0  }
0x2d: {  	s21 =	rddreg [dreg:$0x7];
	[sflag:s20] =	ssyncadd.s32 $0xFFFFFFE0  }
0x2e: {  	[tilespmem:s24], [sflag:$0x4] =	stream.linear.gather [hbm4b:s21+s2], $0x8000, $0x38;
	[tilespmem:$0x18200] =	vst v63  }
0x2f: {  	_ =	swait.ge [sflag:s20], $0x8000  }
0x30: {  	[sflag:s20] =	ssyncset.done $0x0  }
0x31: {  	[sflag:s20] =	ssyncadd.s32 $0xFFFF8000  }
0x32: {  	v3 =	vld [tilespmem:$0x0];
	_ =	sdelay $0x4  }
0x33: {  	v4 =	vshll.u32 v3, $0x3  }
0x34: {  	v3 =	vand.u32 $0x7, v3;
	v4 =	vand.u32 $0xFFFFFFC0, v4  }
0x35: {  	v3 =	vor.u32 v3, v4  }
0x36: {  	v4 =	vperm.xlane v3, v0;
	_ =	sdelay $0x1  }
0x37: {  	v4 =	vadd.s32 v1, v4;
	_ =	sdelay $0x3  }
0x38: {  	s25 =	simm.s32 $0x200  }
0x39: {  	[tilespmem:s25], [sflag:$0x1] =	stream.indirect_vreg.gather [hbm4b:s3+s2], $0x80, v4, vm0, $0xb8;
	[tilespmem:$0x18200] =	vst v63  }
0x3a: {  	s26 =	simm.s32 $0xA00;
	v3 =	vperm.xlane v3, v2  }
0x3b: {  	[tilespmem:s26], [sflag:$0x1] =	stream.indirect_vreg.gather [hbm4b:s9+s2], $0x80, v4, vm0, $0xb8;
	[tilespmem:$0x18200] =	vst v63  }
0x3c: {  	s14 =	simm.s32 $0x1200;
	v3 =	vadd.s32 v1, v3  }
0x3d: {  	[tilespmem:s14], [sflag:$0x1] =	stream.indirect_vreg.gather [hbm4b:s10+s2], $0x80, v4, vm0, $0xb8;
	[tilespmem:$0x18200] =	vst v63  }
0x3e: {  	s15 =	simm.s32 $0x1A00  }
0x3f: {  	[tilespmem:s15], [sflag:$0x1] =	stream.indirect_vreg.gather [hbm4b:s11+s2], $0x80, v4, vm0, $0xb8;
	[tilespmem:$0x18200] =	vst v63  }
0x40: {  	s16 =	simm.s32 $0x2200  }
0x41: {  	[tilespmem:s16], [sflag:$0x1] =	stream.indirect_vreg.gather [hbm4b:s3+s2], $0x80, v3, vm0, $0xb8;
	[tilespmem:$0x18200] =	vst v63  }
0x42: {  	s17 =	simm.s32 $0x2A00  }
0x43: {  	[tilespmem:s17], [sflag:$0x1] =	stream.indirect_vreg.gather [hbm4b:s9+s2], $0x80, v3, vm0, $0xb8;
	[tilespmem:$0x18200] =	vst v63  }
0x44: {  	s21 =	simm.s32 $0x3200  }
0x45: {  	[tilespmem:s21], [sflag:$0x1] =	stream.indirect_vreg.gather [hbm4b:s10+s2], $0x80, v3, vm0, $0xb8;
	[tilespmem:$0x18200] =	vst v63  }
0x46: {  	s25 =	simm.s32 $0x3A00  }
0x47: {  	[tilespmem:s25], [sflag:$0x1] =	stream.indirect_vreg.gather [hbm4b:s11+s2], $0x80, v3, vm0, $0xb8;
	[tilespmem:$0x18200] =	vst v63  }
0x48: {  	v3 =	vld [tilespmem:$0x10];
	_ =	sdelay $0x4  }
0x49: {  	v61 =	vshll.u32 v3, $0x3  }
0x4a: {  	v3 =	vand.u32 $0x7, v3;
	v4 =	vand.u32 $0xFFFFFFC0, v61  }
0x4b: {  	v3 =	vor.u32 v3, v4  }
0x4c: {  	v4 =	vperm.xlane v3, v0;
	_ =	sdelay $0x1  }
0x4d: {  	v4 =	vadd.s32 v1, v4;
	_ =	sdelay $0x3  }
0x4e: {  	s26 =	simm.s32 $0x4200  }
0x4f: {  	[tilespmem:s26], [sflag:$0x1] =	stream.indirect_vreg.gather [hbm4b:s3+s2], $0x80, v4, vm0, $0xb8;
	[tilespmem:$0x18200] =	vst v63  }
0x50: {  	s14 =	simm.s32 $0x4A00;
	v3 =	vperm.xlane v3, v2  }
0x51: {  	[tilespmem:s14], [sflag:$0x1] =	stream.indirect_vreg.gather [hbm4b:s9+s2], $0x80, v4, vm0, $0xb8;
	[tilespmem:$0x18200] =	vst v63  }
0x52: {  	s15 =	simm.s32 $0x5200;
	v3 =	vadd.s32 v1, v3  }
0x53: {  	[tilespmem:s15], [sflag:$0x1] =	stream.indirect_vreg.gather [hbm4b:s10+s2], $0x80, v4, vm0, $0xb8;
	[tilespmem:$0x18200] =	vst v63  }
0x54: {  	s16 =	simm.s32 $0x5A00  }
0x55: {  	[tilespmem:s16], [sflag:$0x1] =	stream.indirect_vreg.gather [hbm4b:s11+s2], $0x80, v4, vm0, $0xb8;
	[tilespmem:$0x18200] =	vst v63  }
0x56: {  	s17 =	simm.s32 $0x6200  }
0x57: {  	[tilespmem:s17], [sflag:$0x1] =	stream.indirect_vreg.gather [hbm4b:s3+s2], $0x80, v3, vm0, $0xb8;
	[tilespmem:$0x18200] =	vst v63  }
0x58: {  	s21 =	simm.s32 $0x6A00  }
0x59: {  	[tilespmem:s21], [sflag:$0x1] =	stream.indirect_vreg.gather [hbm4b:s9+s2], $0x80, v3, vm0, $0xb8;
	[tilespmem:$0x18200] =	vst v63  }
0x5a: {  	s25 =	simm.s32 $0x7200  }
0x5b: {  	[tilespmem:s25], [sflag:$0x1] =	stream.indirect_vreg.gather [hbm4b:s10+s2], $0x80, v3, vm0, $0xb8;
	[tilespmem:$0x18200] =	vst v63  }
0x5c: {  	s26 =	simm.s32 $0x7A00  }
0x5d: {  	[tilespmem:s26], [sflag:$0x1] =	stream.indirect_vreg.gather [hbm4b:s11+s2], $0x80, v3, vm0, $0xb8;
	[tilespmem:$0x18200] =	vst v63  }
0x5e: {  	v3 =	vld [tilespmem:$0x80];
	_ =	sdelay $0x4  }
0x5f: {  	v62 =	vshll.u32 v3, $0x3  }
0x60: {  	v3 =	vand.u32 $0x7, v3;
	v4 =	vand.u32 $0xFFFFFFC0, v62  }
0x61: {  	v3 =	vor.u32 v3, v4  }
0x62: {  	v4 =	vperm.xlane v3, v0;
	_ =	sdelay $0x1  }
0x63: {  	v4 =	vadd.s32 v1, v4;
	_ =	sdelay $0x3  }
0x64: {  	s14 =	simm.s32 $0x8200  }
0x65: {  	[tilespmem:s14], [sflag:$0x2] =	stream.indirect_vreg.gather [hbm4b:s3+s2], $0x80, v4, vm0, $0xb8;
	[tilespmem:$0x18200] =	vst v63  }
0x66: {  	s15 =	simm.s32 $0x8A00;
	v3 =	vperm.xlane v3, v2  }
0x67: {  	[tilespmem:s15], [sflag:$0x2] =	stream.indirect_vreg.gather [hbm4b:s9+s2], $0x80, v4, vm0, $0xb8;
	[tilespmem:$0x18200] =	vst v63  }
0x68: {  	s16 =	simm.s32 $0x9200;
	v3 =	vadd.s32 v1, v3  }
0x69: {  	[tilespmem:s16], [sflag:$0x2] =	stream.indirect_vreg.gather [hbm4b:s10+s2], $0x80, v4, vm0, $0xb8;
	[tilespmem:$0x18200] =	vst v63  }
0x6a: {  	s17 =	simm.s32 $0x9A00  }
0x6b: {  	[tilespmem:s17], [sflag:$0x2] =	stream.indirect_vreg.gather [hbm4b:s11+s2], $0x80, v4, vm0, $0xb8;
	[tilespmem:$0x18200] =	vst v63  }
0x6c: {  	s21 =	simm.s32 $0xA200  }
0x6d: {  	[tilespmem:s21], [sflag:$0x2] =	stream.indirect_vreg.gather [hbm4b:s3+s2], $0x80, v3, vm0, $0xb8;
	[tilespmem:$0x18200] =	vst v63  }
0x6e: {  	s25 =	simm.s32 $0xAA00  }
0x6f: {  	[tilespmem:s25], [sflag:$0x2] =	stream.indirect_vreg.gather [hbm4b:s9+s2], $0x80, v3, vm0, $0xb8;
	[tilespmem:$0x18200] =	vst v63  }
0x70: {  	s26 =	simm.s32 $0xB200  }
0x71: {  	[tilespmem:s26], [sflag:$0x2] =	stream.indirect_vreg.gather [hbm4b:s10+s2], $0x80, v3, vm0, $0xb8;
	[tilespmem:$0x18200] =	vst v63  }
0x72: {  	_ = 	snop  }
0x73: {  	[tilespmem:s28], [sflag:$0x2] =	stream.indirect_vreg.gather [hbm4b:s11+s2], $0x80, v3, vm0, $0xb8;
	[tilespmem:$0x18200] =	vst v63  }
0x74: {  	v3 =	vld [tilespmem:$0x90];
	_ =	sdelay $0x4  }
0x75: {  	v63 =	vshll.u32 v3, $0x3  }
0x76: {  	v3 =	vand.u32 $0x7, v3;
	v4 =	vand.u32 $0xFFFFFFC0, v63  }
0x77: {  	v3 =	vor.u32 v3, v4  }
0x78: {  	v4 =	vperm.xlane v3, v0;
	_ =	sdelay $0x1  }
0x79: {  	v4 =	vadd.s32 v1, v4;
	_ =	sdelay $0x4  }
0x7a: {  	[tilespmem:s19], [sflag:$0x2] =	stream.indirect_vreg.gather [hbm4b:s3+s2], $0x80, v4, vm0, $0xb8;
	[tilespmem:$0x18200] =	vst v63  }
0x7b: {  	v3 =	vperm.xlane v3, v2  }
0x7c: {  	[tilespmem:s29], [sflag:$0x2] =	stream.indirect_vreg.gather [hbm4b:s9+s2], $0x80, v4, vm0, $0xb8;
	[tilespmem:$0x18200] =	vst v63  }
0x7d: {  	v3 =	vadd.s32 v1, v3  }
0x7e: {  	[tilespmem:s30], [sflag:$0x2] =	stream.indirect_vreg.gather [hbm4b:s10+s2], $0x80, v4, vm0, $0xb8;
	[tilespmem:$0x18200] =	vst v63  }
0x7f: {  	_ = 	snop  }
0x80: {  	[tilespmem:s31], [sflag:$0x2] =	stream.indirect_vreg.gather [hbm4b:s11+s2], $0x80, v4, vm0, $0xb8;
	[tilespmem:$0x18200] =	vst v63  }
0x81: {  	_ = 	snop  }
0x82: {  	[tilespmem:s0], [sflag:$0x2] =	stream.indirect_vreg.gather [hbm4b:s3+s2], $0x80, v3, vm0, $0xb8;
	[tilespmem:$0x18200] =	vst v63  }
0x83: {  	_ = 	snop  }
0x84: {  	[tilespmem:s1], [sflag:$0x2] =	stream.indirect_vreg.gather [hbm4b:s9+s2], $0x80, v3, vm0, $0xb8;
	[tilespmem:$0x18200] =	vst v63  }
0x85: {  	_ = 	snop  }
0x86: {  	[tilespmem:s4], [sflag:$0x2] =	stream.indirect_vreg.gather [hbm4b:s10+s2], $0x80, v3, vm0, $0xb8;
	[tilespmem:$0x18200] =	vst v63  }
0x87: {  	_ = 	snop  }
0x88: {  	[tilespmem:s5], [sflag:$0x2] =	stream.indirect_vreg.gather [hbm4b:s11+s2], $0x80, v3, vm0, $0xb8;
	[tilespmem:$0x18200] =	vst v63  }
0x89: {  	_ =	swait.ge [sflag:s6], $0x8000  }
0x8a: {  	[sflag:s6] =	ssyncset.done $0x0  }
0x8b: {  	[sflag:s6] =	ssyncadd.s32 $0xFFFF8000  }
0x8c: {  	_ =	swait.ge [sflag:s7], $0x8000  }
0x8d: {  	[sflag:s7] =	ssyncset.done $0x0  }
0x8e: {  	s13 =	simm.s32 $0x0;
	[sflag:s7] =	ssyncadd.s32 $0xFFFF8000  }
.LBB2_2:
0x8f: {  	v3 =	vmov s13;
	_ =	sdelay $0x1  }
0x90: {  	s14 =	sshll.u32 s13, $0xA;
	s15 =	sshll.u32 s13, $0x7  }
0x91: {  	s14 =	sand.u32 $0x6000, s14;
	s16 =	sand.u32 $0x380, s15;
	s15 =	simm.s32 $0x0  }
0x92: {  	s21 =	sor.u32 s14, s16;
	s25 =	sand.u32 $0x40, s15  }
0x93: {  	s26 =	sand.u32 $0x1C00, s15;
	s14 =	sor.u32 s25, s21;
	v4 =	vld.idx.msk [tilespmem:v3+s22+$0x0], $0xffff  }
0x94: {  	s14 =	sor.u32 s26, s14;
	v3 =	vld.idx.msk [tilespmem:v3+s23+$0x0], $0xffff  }
0x95: {  	v5 =	vld [tilespmem:s14+$0x230]  }
0x96: {  	v7 =	vld [tilespmem:s14+$0x200]  }
0x97: {  	v9 =	vld [tilespmem:s14+$0x8230]  }
0x98: {  	v11 =	vld [tilespmem:s14+$0x10230]  }
0x99: {  	v10 =	vld [tilespmem:s14+$0x210]  }
0x9a: {  	v6 =	vld [tilespmem:s14+$0x220];
	v5 =	vmul.f32 v5, v4  }
0x9b: {  	v8 =	vld [tilespmem:s14+$0x8200];
	vm2 =	vgt.f32 v4, $0.0e+00;
	v13 =	vmul.f32 v7, v4  }
0x9c: {  	v7 =	vld [tilespmem:s14+$0x8210];
	v12 =	vmul.f32 v9, v3;
	v14 =	vnsel vm2, $0x0, v5  }
0x9d: {  	s16 =	simm.s32 $0x0;
	s25 =	simm.s32 $0x40;
	vm1 =	vgt.f32 v3, $0.0e+00;
	v9 =	vld [tilespmem:s14+$0x8220];
	v5 =	vnsel vm2, $0x0, v13;
	v11 =	vadd.f32 v14, v11  }
.LBB2_3:
0x9e: {  	s17 =	sand.u32 $0x40, s25;
	s16 =	sadd.s32 $0x4, s16;
	v13 =	vld [tilespmem:s14+$0x10200];
	v10 =	vmul.f32 v10, v4;
	v12 =	vnsel vm1, $0x0, v12;
	s15 =	sadd.s32 $0x200, s15  }
0x9f: {  	s26 =	sand.u32 $0x1C00, s15;
	s17 =	sor.u32 s17, s21;
	p0 =	slt.u32 s16, $0x3C;
	v14 =	vld [tilespmem:s14+$0x10210];
	v6 =	vmul.f32 v6, v4;
	v11 =	vadd.f32 v12, v11  }
0xa0: {  	s17 =	sor.u32 s26, s17;
	v8 =	vmul.f32 v8, v3;
	v10 =	vnsel vm2, $0x0, v10;
	v12 =	vld [tilespmem:s14+$0x10220]  }
0xa1: {  	v15 =	vld [tilespmem:s17+$0x230];
	v7 =	vmul.f32 v7, v3;
	v6 =	vnsel vm2, $0x0, v6;
	[tilespmem:s14+$0x10230] =	vst v11  }
0xa2: {  	v11 =	vld [tilespmem:s17+$0x200];
	v8 =	vnsel vm1, $0x0, v8;
	v9 =	vmul.f32 v9, v3  }
0xa3: {  	v16 =	vld [tilespmem:s17+$0x8230];
	v5 =	vadd.f32 v5, v13;
	v7 =	vnsel vm1, $0x0, v7  }
0xa4: {  	v13 =	vld [tilespmem:s17+$0x10230];
	v14 =	vadd.f32 v10, v14;
	v9 =	vnsel vm1, $0x0, v9  }
.Ltmp0:
0xa5: {  	v10 =	vld [tilespmem:s17+$0x210];
	v5 =	vadd.f32 v8, v5;
	v12 =	vadd.f32 v6, v12;
	(pc) =	sbr.rel @p0 .LBB2_3-.Ltmp0, $4  }
0xa6: {  	v6 =	vld [tilespmem:s17+$0x220];
	v15 =	vmul.f32 v15, v4;
	v14 =	vadd.f32 v7, v14  }
0xa7: {  	v11 =	vmul.f32 v11, v4;
	v8 =	vld [tilespmem:s17+$0x8200];
	[tilespmem:s14+$0x10200] =	vst v5;
	v17 =	vadd.f32 v9, v12  }
0xa8: {  	v7 =	vld [tilespmem:s17+$0x8210];
	v15 =	vnsel vm2, $0x0, v15;
	v12 =	vmul.f32 v16, v3;
	[tilespmem:s14+$0x10210] =	vst v14  }
0xa9: {  	s25 =	sadd.s32 $0x40, s25;
	v5 =	vnsel vm2, $0x0, v11;
	v9 =	vld [tilespmem:s17+$0x8220];
	v11 =	vadd.f32 v15, v13;
	[tilespmem:s14+$0x10220] =	vst v17;
	s14 =	smov.u32 s17  }
0xaa: {  	v13 =	vld [tilespmem:s14+$0x10200]  }
0xab: {  	v14 =	vld [tilespmem:s14+$0x10210]  }
0xac: {  	v10 =	vmul.f32 v10, v4;
	v15 =	vld [tilespmem:s14+$0x10220]  }
0xad: {  	v61 =	vnsel vm1, $0x0, v12;
	v60 =	vmul.f32 v6, v4  }
0xae: {  	v6 =	vadd.f32 v61, v11;
	v8 =	vmul.f32 v8, v3;
	v10 =	vnsel vm2, $0x0, v10  }
0xaf: {  	s13 =	sadd.s32 $0x1, s13;
	v7 =	vmul.f32 v7, v3;
	v4 =	vnsel vm2, $0x0, v60;
	v5 =	vadd.f32 v5, v13  }
0xb0: {  	p0 =	sne.s32 s13, $0x20;
	v8 =	vnsel vm1, $0x0, v8;
	v3 =	vmul.f32 v9, v3;
	v62 =	vadd.f32 v10, v14  }
.Ltmp1:
0xb1: {  	v7 =	vnsel vm1, $0x0, v7;
	v4 =	vadd.f32 v4, v15;
	v5 =	vadd.f32 v8, v5;
	(pc) =	sbr.rel @p0 .LBB2_2-.Ltmp1, $4  }
0xb2: {  	[tilespmem:s14+$0x10230] =	vst v6;
	v3 =	vnsel vm1, $0x0, v3;
	v63 =	vadd.f32 v7, v62  }
0xb3: {  	v3 =	vadd.f32 v3, v4;
	[tilespmem:s14+$0x10200] =	vst v5  }
0xb4: {  	[tilespmem:s14+$0x10210] =	vst v63  }
0xb5: {  	[tilespmem:s14+$0x10220] =	vst v3  }
0xb6: {  	s13 =	simm.s32 $0x0;
	s14 =	rddreg [dreg:$0x8]  }
0xb7: {  	[hbm4b:s14+s13] =	stream.linear.scatter [tilespmem:s24], [sflag:$0x3], $0x8000, $0x38;
	[tilespmem:$0x18200] =	vst v63  }
0xb8: {  	_ =	swait.ge [sflag:s8], $0x8000  }
0xb9: {  	[sflag:s8] =	ssyncset.done $0x0  }
0xba: {  	s15 =	rddreg [dreg:$0x9];
	[sflag:s8] =	ssyncadd.s32 $0xFFFF8000  }
0xbb: {  	[tilespmem:s13], [sflag:$0x4] =	stream.linear.gather [hbm4b:s15+s13], $0x20, $0x38;
	[tilespmem:$0x18200] =	vst v63  }
0xbc: {  	_ =	swait.ge [sflag:s20], $0x20  }
0xbd: {  	[sflag:s20] =	ssyncset.done $0x0  }
0xbe: {  	s16 =	rddreg [dreg:$0xa];
	[sflag:s20] =	ssyncadd.s32 $0xFFFFFFE0  }
0xbf: {  	[tilespmem:s18], [sflag:$0x4] =	stream.linear.gather [hbm4b:s16+s13], $0x20, $0x38;
	[tilespmem:$0x18200] =	vst v63  }
0xc0: {  	_ =	swait.ge [sflag:s20], $0x20  }
0xc1: {  	[sflag:s20] =	ssyncset.done $0x0  }
0xc2: {  	s17 =	rddreg [dreg:$0xb];
	[sflag:s20] =	ssyncadd.s32 $0xFFFFFFE0  }
0xc3: {  	[tilespmem:s22], [sflag:$0x4] =	stream.linear.gather [hbm4b:s17+s13], $0x20, $0x38;
	[tilespmem:$0x18200] =	vst v63  }
0xc4: {  	_ =	swait.ge [sflag:s20], $0x20  }
0xc5: {  	[sflag:s20] =	ssyncset.done $0x0  }
0xc6: {  	s18 =	rddreg [dreg:$0xc];
	[sflag:s20] =	ssyncadd.s32 $0xFFFFFFE0  }
0xc7: {  	[tilespmem:s23], [sflag:$0x4] =	stream.linear.gather [hbm4b:s18+s13], $0x20, $0x38;
	[tilespmem:$0x18200] =	vst v63  }
0xc8: {  	_ =	swait.ge [sflag:s20], $0x20  }
0xc9: {  	[sflag:s20] =	ssyncset.done $0x0  }
0xca: {  	s21 =	rddreg [dreg:$0xd];
	[sflag:s20] =	ssyncadd.s32 $0xFFFFFFE0  }
0xcb: {  	[tilespmem:s24], [sflag:$0x4] =	stream.linear.gather [hbm4b:s21+s13], $0x8000, $0x38;
	[tilespmem:$0x18200] =	vst v63  }
0xcc: {  	_ =	swait.ge [sflag:s20], $0x8000  }
0xcd: {  	[sflag:s20] =	ssyncset.done $0x0  }
0xce: {  	[sflag:s20] =	ssyncadd.s32 $0xFFFF8000  }
0xcf: {  	v3 =	vld [tilespmem:$0x0];
	_ =	sdelay $0x4  }
0xd0: {  	v4 =	vshll.u32 v3, $0x3  }
0xd1: {  	v3 =	vand.u32 $0x7, v3;
	v4 =	vand.u32 $0xFFFFFFC0, v4  }
0xd2: {  	v3 =	vor.u32 v3, v4  }
0xd3: {  	v4 =	vperm.xlane v3, v0;
	_ =	sdelay $0x1  }
0xd4: {  	v4 =	vadd.s32 v1, v4;
	_ =	sdelay $0x3  }
0xd5: {  	s25 =	simm.s32 $0x200  }
0xd6: {  	[tilespmem:s25], [sflag:$0x1] =	stream.indirect_vreg.gather [hbm4b:s3+s13], $0x80, v4, vm0, $0xb8;
	[tilespmem:$0x18200] =	vst v63  }
0xd7: {  	s26 =	simm.s32 $0xA00;
	v3 =	vperm.xlane v3, v2  }
0xd8: {  	[tilespmem:s26], [sflag:$0x1] =	stream.indirect_vreg.gather [hbm4b:s9+s13], $0x80, v4, vm0, $0xb8;
	[tilespmem:$0x18200] =	vst v63  }
0xd9: {  	s15 =	simm.s32 $0x1200;
	v3 =	vadd.s32 v1, v3  }
0xda: {  	[tilespmem:s15], [sflag:$0x1] =	stream.indirect_vreg.gather [hbm4b:s10+s13], $0x80, v4, vm0, $0xb8;
	[tilespmem:$0x18200] =	vst v63  }
0xdb: {  	s16 =	simm.s32 $0x1A00  }
0xdc: {  	[tilespmem:s16], [sflag:$0x1] =	stream.indirect_vreg.gather [hbm4b:s11+s13], $0x80, v4, vm0, $0xb8;
	[tilespmem:$0x18200] =	vst v63  }
0xdd: {  	s17 =	simm.s32 $0x2200  }
0xde: {  	[tilespmem:s17], [sflag:$0x1] =	stream.indirect_vreg.gather [hbm4b:s3+s13], $0x80, v3, vm0, $0xb8;
	[tilespmem:$0x18200] =	vst v63  }
0xdf: {  	s18 =	simm.s32 $0x2A00  }
0xe0: {  	[tilespmem:s18], [sflag:$0x1] =	stream.indirect_vreg.gather [hbm4b:s9+s13], $0x80, v3, vm0, $0xb8;
	[tilespmem:$0x18200] =	vst v63  }
0xe1: {  	s21 =	simm.s32 $0x3200  }
0xe2: {  	[tilespmem:s21], [sflag:$0x1] =	stream.indirect_vreg.gather [hbm4b:s10+s13], $0x80, v3, vm0, $0xb8;
	[tilespmem:$0x18200] =	vst v63  }
0xe3: {  	s25 =	simm.s32 $0x3A00  }
0xe4: {  	[tilespmem:s25], [sflag:$0x1] =	stream.indirect_vreg.gather [hbm4b:s11+s13], $0x80, v3, vm0, $0xb8;
	[tilespmem:$0x18200] =	vst v63  }
0xe5: {  	v3 =	vld [tilespmem:$0x10];
	_ =	sdelay $0x4  }
0xe6: {  	v61 =	vshll.u32 v3, $0x3  }
0xe7: {  	v3 =	vand.u32 $0x7, v3;
	v4 =	vand.u32 $0xFFFFFFC0, v61  }
0xe8: {  	v3 =	vor.u32 v3, v4  }
0xe9: {  	v4 =	vperm.xlane v3, v0;
	_ =	sdelay $0x1  }
0xea: {  	v4 =	vadd.s32 v1, v4;
	_ =	sdelay $0x3  }
0xeb: {  	s26 =	simm.s32 $0x4200  }
0xec: {  	[tilespmem:s26], [sflag:$0x1] =	stream.indirect_vreg.gather [hbm4b:s3+s13], $0x80, v4, vm0, $0xb8;
	[tilespmem:$0x18200] =	vst v63  }
0xed: {  	s15 =	simm.s32 $0x4A00;
	v3 =	vperm.xlane v3, v2  }
0xee: {  	[tilespmem:s15], [sflag:$0x1] =	stream.indirect_vreg.gather [hbm4b:s9+s13], $0x80, v4, vm0, $0xb8;
	[tilespmem:$0x18200] =	vst v63  }
0xef: {  	s16 =	simm.s32 $0x5200;
	v3 =	vadd.s32 v1, v3  }
0xf0: {  	[tilespmem:s16], [sflag:$0x1] =	stream.indirect_vreg.gather [hbm4b:s10+s13], $0x80, v4, vm0, $0xb8;
	[tilespmem:$0x18200] =	vst v63  }
0xf1: {  	s17 =	simm.s32 $0x5A00  }
0xf2: {  	[tilespmem:s17], [sflag:$0x1] =	stream.indirect_vreg.gather [hbm4b:s11+s13], $0x80, v4, vm0, $0xb8;
	[tilespmem:$0x18200] =	vst v63  }
0xf3: {  	s18 =	simm.s32 $0x6200  }
0xf4: {  	[tilespmem:s18], [sflag:$0x1] =	stream.indirect_vreg.gather [hbm4b:s3+s13], $0x80, v3, vm0, $0xb8;
	[tilespmem:$0x18200] =	vst v63  }
0xf5: {  	s21 =	simm.s32 $0x6A00  }
0xf6: {  	[tilespmem:s21], [sflag:$0x1] =	stream.indirect_vreg.gather [hbm4b:s9+s13], $0x80, v3, vm0, $0xb8;
	[tilespmem:$0x18200] =	vst v63  }
0xf7: {  	s25 =	simm.s32 $0x7200  }
0xf8: {  	[tilespmem:s25], [sflag:$0x1] =	stream.indirect_vreg.gather [hbm4b:s10+s13], $0x80, v3, vm0, $0xb8;
	[tilespmem:$0x18200] =	vst v63  }
0xf9: {  	s26 =	simm.s32 $0x7A00  }
0xfa: {  	[tilespmem:s26], [sflag:$0x1] =	stream.indirect_vreg.gather [hbm4b:s11+s13], $0x80, v3, vm0, $0xb8;
	[tilespmem:$0x18200] =	vst v63  }
0xfb: {  	v3 =	vld [tilespmem:$0x80];
	_ =	sdelay $0x4  }
0xfc: {  	v62 =	vshll.u32 v3, $0x3  }
0xfd: {  	v3 =	vand.u32 $0x7, v3;
	v4 =	vand.u32 $0xFFFFFFC0, v62  }
0xfe: {  	v3 =	vor.u32 v3, v4  }
0xff: {  	v4 =	vperm.xlane v3, v0;
	_ =	sdelay $0x1  }
0x100: {  	v4 =	vadd.s32 v1, v4;
	_ =	sdelay $0x3  }
0x101: {  	s15 =	simm.s32 $0x8200  }
0x102: {  	[tilespmem:s15], [sflag:$0x2] =	stream.indirect_vreg.gather [hbm4b:s3+s13], $0x80, v4, vm0, $0xb8;
	[tilespmem:$0x18200] =	vst v63  }
0x103: {  	s16 =	simm.s32 $0x8A00;
	v3 =	vperm.xlane v3, v2  }
0x104: {  	[tilespmem:s16], [sflag:$0x2] =	stream.indirect_vreg.gather [hbm4b:s9+s13], $0x80, v4, vm0, $0xb8;
	[tilespmem:$0x18200] =	vst v63  }
0x105: {  	s17 =	simm.s32 $0x9200;
	v3 =	vadd.s32 v1, v3  }
0x106: {  	[tilespmem:s17], [sflag:$0x2] =	stream.indirect_vreg.gather [hbm4b:s10+s13], $0x80, v4, vm0, $0xb8;
	[tilespmem:$0x18200] =	vst v63  }
0x107: {  	s18 =	simm.s32 $0x9A00  }
0x108: {  	[tilespmem:s18], [sflag:$0x2] =	stream.indirect_vreg.gather [hbm4b:s11+s13], $0x80, v4, vm0, $0xb8;
	[tilespmem:$0x18200] =	vst v63  }
0x109: {  	s21 =	simm.s32 $0xA200  }
0x10a: {  	[tilespmem:s21], [sflag:$0x2] =	stream.indirect_vreg.gather [hbm4b:s3+s13], $0x80, v3, vm0, $0xb8;
	[tilespmem:$0x18200] =	vst v63  }
0x10b: {  	s25 =	simm.s32 $0xAA00  }
0x10c: {  	[tilespmem:s25], [sflag:$0x2] =	stream.indirect_vreg.gather [hbm4b:s9+s13], $0x80, v3, vm0, $0xb8;
	[tilespmem:$0x18200] =	vst v63  }
0x10d: {  	s26 =	simm.s32 $0xB200  }
0x10e: {  	[tilespmem:s26], [sflag:$0x2] =	stream.indirect_vreg.gather [hbm4b:s10+s13], $0x80, v3, vm0, $0xb8;
	[tilespmem:$0x18200] =	vst v63  }
0x10f: {  	_ = 	snop  }
0x110: {  	[tilespmem:s28], [sflag:$0x2] =	stream.indirect_vreg.gather [hbm4b:s11+s13], $0x80, v3, vm0, $0xb8;
	[tilespmem:$0x18200] =	vst v63  }
0x111: {  	v3 =	vld [tilespmem:$0x90];
	_ =	sdelay $0x4  }
0x112: {  	v63 =	vshll.u32 v3, $0x3  }
0x113: {  	v3 =	vand.u32 $0x7, v3;
	v4 =	vand.u32 $0xFFFFFFC0, v63  }
0x114: {  	v3 =	vor.u32 v3, v4  }
0x115: {  	v4 =	vperm.xlane v3, v0;
	_ =	sdelay $0x1  }
0x116: {  	v4 =	vadd.s32 v1, v4;
	_ =	sdelay $0x4  }
0x117: {  	[tilespmem:s19], [sflag:$0x2] =	stream.indirect_vreg.gather [hbm4b:s3+s13], $0x80, v4, vm0, $0xb8;
	[tilespmem:$0x18200] =	vst v63  }
0x118: {  	v3 =	vperm.xlane v3, v2  }
0x119: {  	[tilespmem:s29], [sflag:$0x2] =	stream.indirect_vreg.gather [hbm4b:s9+s13], $0x80, v4, vm0, $0xb8;
	[tilespmem:$0x18200] =	vst v63  }
0x11a: {  	v3 =	vadd.s32 v1, v3  }
0x11b: {  	[tilespmem:s30], [sflag:$0x2] =	stream.indirect_vreg.gather [hbm4b:s10+s13], $0x80, v4, vm0, $0xb8;
	[tilespmem:$0x18200] =	vst v63  }
0x11c: {  	_ = 	snop  }
0x11d: {  	[tilespmem:s31], [sflag:$0x2] =	stream.indirect_vreg.gather [hbm4b:s11+s13], $0x80, v4, vm0, $0xb8;
	[tilespmem:$0x18200] =	vst v63  }
0x11e: {  	_ = 	snop  }
0x11f: {  	[tilespmem:s0], [sflag:$0x2] =	stream.indirect_vreg.gather [hbm4b:s3+s13], $0x80, v3, vm0, $0xb8;
	[tilespmem:$0x18200] =	vst v63  }
0x120: {  	_ = 	snop  }
0x121: {  	[tilespmem:s1], [sflag:$0x2] =	stream.indirect_vreg.gather [hbm4b:s9+s13], $0x80, v3, vm0, $0xb8;
	[tilespmem:$0x18200] =	vst v63  }
0x122: {  	_ = 	snop  }
0x123: {  	[tilespmem:s4], [sflag:$0x2] =	stream.indirect_vreg.gather [hbm4b:s10+s13], $0x80, v3, vm0, $0xb8;
	[tilespmem:$0x18200] =	vst v63  }
0x124: {  	_ = 	snop  }
0x125: {  	[tilespmem:s5], [sflag:$0x2] =	stream.indirect_vreg.gather [hbm4b:s11+s13], $0x80, v3, vm0, $0xb8;
	[tilespmem:$0x18200] =	vst v63  }
0x126: {  	_ =	swait.ge [sflag:s6], $0x8000  }
0x127: {  	[sflag:s6] =	ssyncset.done $0x0  }
0x128: {  	[sflag:s6] =	ssyncadd.s32 $0xFFFF8000  }
0x129: {  	_ =	swait.ge [sflag:s7], $0x8000  }
0x12a: {  	[sflag:s7] =	ssyncset.done $0x0  }
0x12b: {  	s21 =	simm.s32 $0x0;
	[sflag:s7] =	ssyncadd.s32 $0xFFFF8000  }
.LBB2_6:
0x12c: {  	v3 =	vmov s21;
	_ =	sdelay $0x1  }
0x12d: {  	s14 =	sshll.u32 s21, $0xA;
	s15 =	sshll.u32 s21, $0x7  }
0x12e: {  	s14 =	sand.u32 $0x6000, s14;
	s15 =	sand.u32 $0x380, s15  }
0x12f: {  	s26 =	sand.u32 $0x40, s13;
	s15 =	sor.u32 s14, s15  }
0x130: {  	s16 =	sand.u32 $0x1C00, s13;
	s14 =	sor.u32 s26, s15;
	v4 =	vld.idx.msk [tilespmem:v3+s22+$0x0], $0xffff  }
0x131: {  	s14 =	sor.u32 s16, s14;
	v3 =	vld.idx.msk [tilespmem:v3+s23+$0x0], $0xffff  }
0x132: {  	v5 =	vld [tilespmem:s14+$0x230]  }
0x133: {  	v7 =	vld [tilespmem:s14+$0x200]  }
0x134: {  	v9 =	vld [tilespmem:s14+$0x8230]  }
0x135: {  	v11 =	vld [tilespmem:s14+$0x10230]  }
0x136: {  	v10 =	vld [tilespmem:s14+$0x210]  }
0x137: {  	v6 =	vld [tilespmem:s14+$0x220];
	v5 =	vmul.f32 v5, v4  }
0x138: {  	v8 =	vld [tilespmem:s14+$0x8200];
	vm2 =	vgt.f32 v4, $0.0e+00;
	v13 =	vmul.f32 v7, v4  }
0x139: {  	v7 =	vld [tilespmem:s14+$0x8210];
	v12 =	vmul.f32 v9, v3;
	v14 =	vnsel vm2, $0x0, v5  }
0x13a: {  	s25 =	simm.s32 $0x40;
	s17 =	simm.s32 $0x0;
	s16 =	simm.s32 $0x0;
	vm1 =	vgt.f32 v3, $0.0e+00;
	v9 =	vld [tilespmem:s14+$0x8220];
	v5 =	vnsel vm2, $0x0, v13;
	v11 =	vadd.f32 v14, v11  }
.LBB2_7:
0x13b: {  	s26 =	sand.u32 $0x40, s25;
	s16 =	sadd.s32 $0x4, s16;
	v13 =	vld [tilespmem:s14+$0x10200];
	v10 =	vmul.f32 v10, v4;
	v12 =	vnsel vm1, $0x0, v12;
	s17 =	sadd.s32 $0x200, s17  }
0x13c: {  	s18 =	sand.u32 $0x1C00, s17;
	s26 =	sor.u32 s26, s15;
	p0 =	slt.u32 s16, $0x3C;
	v14 =	vld [tilespmem:s14+$0x10210];
	v6 =	vmul.f32 v6, v4;
	v11 =	vadd.f32 v12, v11  }
0x13d: {  	s18 =	sor.u32 s18, s26;
	v8 =	vmul.f32 v8, v3;
	v10 =	vnsel vm2, $0x0, v10;
	v12 =	vld [tilespmem:s14+$0x10220]  }
0x13e: {  	v15 =	vld [tilespmem:s18+$0x230];
	v7 =	vmul.f32 v7, v3;
	v6 =	vnsel vm2, $0x0, v6;
	[tilespmem:s14+$0x10230] =	vst v11  }
0x13f: {  	v11 =	vld [tilespmem:s18+$0x200];
	v8 =	vnsel vm1, $0x0, v8;
	v9 =	vmul.f32 v9, v3  }
0x140: {  	v16 =	vld [tilespmem:s18+$0x8230];
	v5 =	vadd.f32 v5, v13;
	v7 =	vnsel vm1, $0x0, v7  }
0x141: {  	v13 =	vld [tilespmem:s18+$0x10230];
	v14 =	vadd.f32 v10, v14;
	v9 =	vnsel vm1, $0x0, v9  }
.Ltmp2:
0x142: {  	v10 =	vld [tilespmem:s18+$0x210];
	v5 =	vadd.f32 v8, v5;
	v12 =	vadd.f32 v6, v12;
	(pc) =	sbr.rel @p0 .LBB2_7-.Ltmp2, $4  }
0x143: {  	v6 =	vld [tilespmem:s18+$0x220];
	v15 =	vmul.f32 v15, v4;
	v14 =	vadd.f32 v7, v14  }
0x144: {  	v11 =	vmul.f32 v11, v4;
	v8 =	vld [tilespmem:s18+$0x8200];
	[tilespmem:s14+$0x10200] =	vst v5;
	v17 =	vadd.f32 v9, v12  }
0x145: {  	v7 =	vld [tilespmem:s18+$0x8210];
	v15 =	vnsel vm2, $0x0, v15;
	v12 =	vmul.f32 v16, v3;
	[tilespmem:s14+$0x10210] =	vst v14  }
0x146: {  	s25 =	sadd.s32 $0x40, s25;
	v5 =	vnsel vm2, $0x0, v11;
	v9 =	vld [tilespmem:s18+$0x8220];
	v11 =	vadd.f32 v15, v13;
	[tilespmem:s14+$0x10220] =	vst v17;
	s14 =	smov.u32 s18  }
0x147: {  	v13 =	vld [tilespmem:s14+$0x10200]  }
0x148: {  	v14 =	vld [tilespmem:s14+$0x10210]  }
0x149: {  	v10 =	vmul.f32 v10, v4;
	v15 =	vld [tilespmem:s14+$0x10220]  }
0x14a: {  	v61 =	vnsel vm1, $0x0, v12;
	v60 =	vmul.f32 v6, v4  }
0x14b: {  	v6 =	vadd.f32 v61, v11;
	v8 =	vmul.f32 v8, v3;
	v10 =	vnsel vm2, $0x0, v10  }
0x14c: {  	s21 =	sadd.s32 $0x1, s21;
	v7 =	vmul.f32 v7, v3;
	v4 =	vnsel vm2, $0x0, v60;
	v5 =	vadd.f32 v5, v13  }
0x14d: {  	p0 =	sne.s32 s21, $0x20;
	v8 =	vnsel vm1, $0x0, v8;
	v3 =	vmul.f32 v9, v3;
	v62 =	vadd.f32 v10, v14  }
.Ltmp3:
0x14e: {  	v7 =	vnsel vm1, $0x0, v7;
	v4 =	vadd.f32 v4, v15;
	v5 =	vadd.f32 v8, v5;
	(pc) =	sbr.rel @p0 .LBB2_6-.Ltmp3, $4  }
0x14f: {  	[tilespmem:s14+$0x10230] =	vst v6;
	v3 =	vnsel vm1, $0x0, v3;
	v63 =	vadd.f32 v7, v62  }
0x150: {  	v3 =	vadd.f32 v3, v4;
	[tilespmem:s14+$0x10200] =	vst v5  }
0x151: {  	[tilespmem:s14+$0x10210] =	vst v63  }
0x152: {  	[tilespmem:s14+$0x10220] =	vst v3  }
0x153: {  	s13 =	rddreg [dreg:$0xe]  }
0x154: {  	[hbm4b:s13+s2] =	stream.linear.scatter [tilespmem:s24], [sflag:$0x3], $0x8000, $0x38;
	[tilespmem:$0x18200] =	vst v63  }
0x155: {  	_ =	swait.ge [sflag:s8], $0x8000  }
0x156: {  	s12 =	sadd.s32 $0x1, s12;
	s26 =	rddreg [dreg:$0xf]  }
0x157: {  	p0 =	sne.s32 s12, s26  }
.Ltmp4:
0x158: {  	_ = 	snop;
	(pc) =	sbr.rel @p0 .LBB2_1-.Ltmp4, $3  }
0x159: {  	_ =	sdelay $0x1  }
0x15a: {  	[sflag:s8] =	ssyncset.done $0x0  }
0x15b: {  	s18 =	simm.s32 $0x80;
	[sflag:s8] =	ssyncadd.s32 $0xFFFF8000  }
0x15c: {  	_ =	sfence.sel $0x180000  }
0x15d: {  	[bflag:$0x0] =	sbarrier.arrive $0xFFFF  }
0x15e: {  	_ =	strace $0x9000004A  }
0x15f: {  	s0 =	stileid.u32;
	[bflag:$0x2] =	sbarrier.arrive $0xFFFF  }
0x160: {  	p0 =	sne.s32 s0, $0x0;
	s0 =	rddreg [dreg:$0x2]  }
0x161: {  	s0 =	sadd.s32 @!p0 $0x100000, s0  }
0x162: {  	[sflag:s0] =	ssyncadd.tile.s32 @!p0 $0x1;
	_ =	shalt  }
.Lfunc_end2:
_tile_overlayer_lowered:
.L_overlay_start_2:
0x163: {  	(tag) =	ssettag $0x2  }
0x164: {  	s0 =	rddreg [dreg:$0x0];
	s2 =	stileid.u32  }
0x165: {  	s1 =	rddreg [dreg:$0x1];
	p0 =	sne.s32 s2, $0x0  }
0x166: {  	s3 =	rddreg [dreg:$0x2];
	[bflag:$0x3] =	sbarrier.arrive $0xFFFF;
	s2 =	simm.s32 @!p0 $0x1C04  }
0x167: {  	[timem:s3], [sflag:s2] =	dma.local @!p0 [hbm:s0], s1  }
0x168: {  	s0 =	simm.s32 @!p0 $0x4  }
0x169: {  	_ =	swait.ge @!p0 [sflag:s0], s1  }
0x16a: {  	s1 =	ssub.s32 @!p0 $0x0, s1;
	[sflag:s0] =	ssyncset.done @!p0 $0x0  }
0x16b: {  	[sflag:s0] =	ssyncadd.s32 @!p0 s1  }
0x16c: {  	[bflag:$0x3] =	sbarrier.arrive $0xFFFF  }
0x16d: {  	_ =	shalt  }

// kernel: kernel.8.cloned.1.call-start
scs
__scs_entry_jumppad:
0x0: {  	(pc) =	sbr.rel $0x88, $3  }
0x1: {  	(tag) =	ssettag $0x0;
	lr =	simm.s32 $0x1  }
0x2: {  	[smem:$0x3F97] =	sst lr;
	_ =	strace $0xD0000000  }
0x3: {  	_ = 	snop  }
0x4: {  	_ = 	snop  }
0x5: {  	_ = 	snop  }
0x6: {  	_ = 	snop  }
0x7: {  	_ = 	snop  }
__scs_overlays_trampoline_lowered:
0x8: {  	[smem:$0x3FA6] =	sst s0  }
0x9: {  	[smem:$0x3FA7] =	sst s1  }
0xa: {  	[smem:$0x3FA8] =	sst s2  }
0xb: {  	[smem:$0x3FA9] =	sst s3  }
0xc: {  	[smem:$0x3FAA] =	sst s4  }
0xd: {  	[smem:$0x3FAB] =	sst s5  }
0xe: {  	[smem:$0x3FAC] =	sst s6  }
0xf: {  	[smem:$0x3FAD] =	sst s7  }
0x10: {  	[smem:$0x3FAE] =	sst s8  }
0x11: {  	[smem:$0x3FAF] =	sst s9;
	s0 =	simm.s32 @!p0 $0x0  }
0x12: {  	s1 =	sld [smem:$0x3F95];
	s0 =	simm.s32 @p0 $0x1  }
0x13: {  	[smem:$0x3FB0] =	sst s0;
	s0 =	simm.s32 @!p1 $0x0  }
0x14: {  	s2 =	sld [smem:$0x3F94];
	s0 =	simm.s32 @p1 $0x1  }
0x15: {  	[smem:$0x3FB1] =	sst s0;
	s0 =	simm.s32 @!p2 $0x0  }
0x16: {  	s3 =	sld [smem:$0x3FDB];
	s0 =	simm.s32 @p2 $0x1  }
0x17: {  	s4 =	simm.s32 $0x1BF5;
	[smem:$0x3FB3] =	sst s0  }
0x18: {  	s0 =	sld [smem:$0x3F96];
	_ =	swait.ge [sflag:s4], $0x0  }
0x19: {  	s7 =	sld [smem:$0x3F97]  }
0x1a: {  	s8 =	sadd.s32 $0xFFFFE003, lr  }
0x1b: {  	s9 =	sadd.s32 $0xFFFFFEF7, lr;
	s5 =	simm.s32 $0xFFFFFFFF;
	p2 =	slt.u32 s8, $0xFFFFF086  }
0x1c: {  	p1 =	slt.u32 s9, $0xF7A;
	s5 =	simm.s32 @!p2 $0x0  }
0x1d: {  	s5 =	simm.s32 @p1 $0x1;
	p0 =	seq.s32 s7, s2  }
0x1e: {  	s7 =	smul.u32 @!p0 $0xF7A, s2;
	p2 =	seq.s32 @!p0 s5, $0x0  }
0x1f: {  	s9 =	smul.u32 $0xF7A, s1;
	s8 =	simm.s32 @!p0 $0x1BF5;
	p2 =	por !p2, p0  }
0x20: {  	[sflag:s8] =	ssyncset.s32 @!p0 $0xFFFFF086;
	s6 =	sadd.s32 @!p0 s3, s7;
	s7 =	simm.s32 @!p0 $0x108  }
0x21: {  	s3 =	sadd.s32 s3, s9;
	s6 =	sadd.s32 @!p0 $0x88, s6;
	s7 =	simm.s32 @p2 $0x1082  }
0x22: {  	[simem:s7], [sflag:s8] =	dma.local @!p0 [hbm:s6], $0xF7A  }
0x23: {  	s9 =	sor.u32 $0xD0000000, s2;
	s6 =	simm.s32 $0x108;
	_ =	swait.ge @!p0 [sflag:s8], $0x0  }
0x24: {  	s3 =	sadd.s32 $0x88, s3;
	s6 =	simm.s32 @!p1 $0x1082;
	[sflag:s4] =	ssyncset.s32 $0xFFFFF086  }
0x25: {  	[simem:s6], [sflag:s4] =	dma.local [hbm:s3], $0xF7A  }
0x26: {  	[smem:$0x3F97] =	sst s1;
	(tag) =	ssettag s2;
	_ =	strace s9  }
0x27: {  	s1 =	sld [smem:$0x3FA7]  }
0x28: {  	s2 =	sld [smem:$0x3FA8]  }
0x29: {  	s4 =	sld [smem:$0x3FAA]  }
0x2a: {  	p0 =	seq.s32 s5, $0x0;
	s5 =	sld [smem:$0x3FAB]  }
0x2b: {  	s6 =	sld [smem:$0x3FAC]  }
0x2c: {  	s7 =	sld [smem:$0x3FAD]  }
0x2d: {  	s3 =	simm.s32 $0x108;
	s8 =	sld [smem:$0x3FAE]  }
0x2e: {  	s3 =	simm.s32 @!p0 $0x1082;
	s9 =	sld [smem:$0x3FAF]  }
0x2f: {  	lr =	sadd.s32 s0, s3;
	s0 =	sld [smem:$0x3FA6]  }
0x30: {  	s3 =	sld [smem:$0x3FA9]  }
0x31: {  	[smem:$0x3FB2] =	sst s10  }
0x32: {  	s10 =	sld [smem:$0x3FB0];
	_ =	sdelay $0x3  }
0x33: {  	p0 =	seq.s32 s10, $0x1;
	s10 =	sld [smem:$0x3FB2];
	_ =	sdelay $0x3  }
0x34: {  	[smem:$0x3FB2] =	sst s10  }
0x35: {  	s10 =	sld [smem:$0x3FB1];
	_ =	sdelay $0x3  }
0x36: {  	p1 =	seq.s32 s10, $0x1;
	s10 =	sld [smem:$0x3FB2];
	_ =	sdelay $0x3  }
0x37: {  	[smem:$0x3FB2] =	sst s10  }
0x38: {  	s10 =	sld [smem:$0x3FB3]  }
0x39: {  	_ = 	snop;
	(pc) =	sbr.ind lr, $3  }
0x3a: {  	_ = 	snop  }
0x3b: {  	_ = 	snop  }
0x3c: {  	p2 =	seq.s32 s10, $0x1;
	s10 =	sld [smem:$0x3FB2]  }
0x3d: {  	_ =	shalt  }
0x3e: {  	_ =	shalt  }
0x3f: {  	_ =	shalt  }
0x40: {  	_ =	shalt  }
0x41: {  	_ =	shalt  }
0x42: {  	_ =	shalt  }
0x43: {  	_ =	shalt  }
0x44: {  	_ =	shalt  }
0x45: {  	_ =	shalt  }
0x46: {  	_ =	shalt  }
0x47: {  	_ =	shalt  }
0x48: {  	_ =	shalt  }
0x49: {  	_ =	shalt  }
0x4a: {  	_ =	shalt  }
0x4b: {  	_ =	shalt  }
0x4c: {  	_ =	shalt  }
0x4d: {  	_ =	shalt  }
0x4e: {  	_ =	shalt  }
0x4f: {  	_ =	shalt  }
0x50: {  	_ =	shalt  }
0x51: {  	_ =	shalt  }
0x52: {  	_ =	shalt  }
0x53: {  	_ =	shalt  }
0x54: {  	_ =	shalt  }
0x55: {  	_ =	shalt  }
0x56: {  	_ =	shalt  }
0x57: {  	_ =	shalt  }
0x58: {  	_ =	shalt  }
0x59: {  	_ =	shalt  }
0x5a: {  	_ =	shalt  }
0x5b: {  	_ =	shalt  }
0x5c: {  	_ =	shalt  }
0x5d: {  	_ =	shalt  }
0x5e: {  	_ =	shalt  }
0x5f: {  	_ =	shalt  }
0x60: {  	_ =	shalt  }
0x61: {  	_ =	shalt  }
0x62: {  	_ =	shalt  }
0x63: {  	_ =	shalt  }
0x64: {  	_ =	shalt  }
0x65: {  	_ =	shalt  }
0x66: {  	_ =	shalt  }
0x67: {  	_ =	shalt  }
0x68: {  	_ =	shalt  }
0x69: {  	_ =	shalt  }
0x6a: {  	_ =	shalt  }
0x6b: {  	_ =	shalt  }
0x6c: {  	_ =	shalt  }
0x6d: {  	_ =	shalt  }
0x6e: {  	_ =	shalt  }
0x6f: {  	_ =	shalt  }
0x70: {  	_ =	shalt  }
0x71: {  	_ =	shalt  }
0x72: {  	_ =	shalt  }
0x73: {  	_ =	shalt  }
0x74: {  	_ =	shalt  }
0x75: {  	_ =	shalt  }
0x76: {  	_ =	shalt  }
0x77: {  	_ =	shalt  }
0x78: {  	_ =	shalt  }
0x79: {  	_ =	shalt  }
0x7a: {  	_ =	shalt  }
0x7b: {  	_ =	shalt  }
0x7c: {  	_ =	shalt  }
0x7d: {  	_ =	shalt  }
0x7e: {  	_ =	shalt  }
0x7f: {  	_ =	shalt  }
0x80: {  	_ =	shalt  }
0x81: {  	_ =	shalt  }
0x82: {  	_ =	shalt  }
0x83: {  	_ =	shalt  }
0x84: {  	_ =	shalt  }
0x85: {  	_ =	shalt  }
0x86: {  	_ =	shalt  }
0x87: {  	_ =	shalt  }
.Lfunc_end0:
.L_simem_size_0:
called_computation_lowered:
.L_overlay_start_0:
0x88: {  	s2 =	sld [smem:$0x3FD9]  }
0x89: {  	s3 =	sld [smem:$0x3FFE];
	_ =	sdelay $0x1  }
0x8a: {  	s1 =	srdreg.scid  }
0x8b: {  	s0 =	sand.u32 $0x1, s1  }
0x8c: {  	s16 =	sshll.u32 s0, $0xA;
	s2 =	sadd.s32 s3, s2  }
0x8d: {  	s2 =	sadd.s32 s2, s16  }
0x8e: {  	[smem:$0x3FBE] =	sst s2  }
0x8f: {  	_ = 	snop  }
0x90: {  	(tm) =	ssettm $0x1  }
0x91: {  	s17 =	sld [smem:$0x3FFB];
	_ =	sdelay $0x3  }
0x92: {  	_ =	strace s17  }
0x93: {  	s2 =	sld [smem:$0x3FFC];
	_ =	sdelay $0x3  }
0x94: {  	_ =	strace s2  }
0x95: {  	s2 =	sld [smem:$0x3FFD];
	_ =	sdelay $0x3  }
0x96: {  	_ =	strace s2  }
0x97: {  	_ =	strace $0x8FFFFFFF  }
0x98: {  	s18 =	sld [smem:$0x3FDB];
	_ =	sdelay $0x1  }
0x99: {  	s19 =	simm.s32 $_scs_section_size  }
0x9a: {  	s4 =	simm.s32 $_size__tile_overlayer_lowered;
	s5 =	simm.s32 $_tile_overlayer_lowered  }
0x9b: {  	s22 =	simm.s32 $0x1BFF;
	s21 =	sshll.u32 s5, $0x1;
	s2 =	sadd.s32 s19, s18  }
0x9c: {  	s6 =	simm.s32 $0x0;
	s20 =	sshll.u32 s4, $0x1;
	s4 =	sadd.s32 s21, s2  }
0x9d: {  	[timem:s6], [sflag:s22] =	dma.local [hbm:s4], s20  }
0x9e: {  	_ =	swait.ge [sflag:s22], s20  }
0x9f: {  	s3 =	ssub.s32 $0x0, s20;
	[sflag:s22] =	ssyncset.done $0x0  }
0xa0: {  	[sflag:s22] =	ssyncadd.s32 s3;
	_ =	sdelay $0x1  }
0xa1: {  	s23 =	simm.s32 $0x1B8B  }
0xa2: {  	_ =	swait.ge [sflag:s23], $0x1  }
0xa3: {  	[sflag:s23] =	ssyncset.done $0x0  }
0xa4: {  	s25 =	simm.s32 $0x1B8E;
	s24 =	sld [smem:$0x3FFE];
	[sflag:s23] =	ssyncadd.s32 $0xFFFFFFFF  }
0xa5: {  	s26 =	simm.s32 $execute0_lowered;
	[smem:$0x3FD2] =	sst s25  }
0xa6: {  	s4 =	sshll.u32 s26, $0x1;
	_ =	strace $0x80000046;
	[dreg:$0x1] =	wrdreg $0xFFFFFFFF  }
0xa7: {  	s28 =	simm.s32 $_size_execute0_lowered;
	s2 =	sadd.s32 s2, s4;
	[dreg:$0x0] =	wrdreg $0x0  }
0xa8: {  	s4 =	sshll.u32 s28, $0x1;
	[dreg:$0x2] =	wrdreg s2  }
0xa9: {  	[dreg:$0x3] =	wrdreg s4  }
0xaa: {  	[dreg:$0x4] =	wrdreg $0xC0  }
0xab: {  	_ =	task [dreg:s6], $0x5FFFF  }
0xac: {  	[dreg:$0x1] =	wrdreg $0xFFFFFFFF  }
0xad: {  	[dreg:$0x0] =	wrdreg $0x60  }
0xae: {  	[dreg:$0x2] =	wrdreg s24  }
0xaf: {  	[dreg:$0x3] =	wrdreg $0x9  }
0xb0: {  	_ =	task.clear_ibuf [dreg:s6], $0x4FFFF;
	_ =	strace $0x90000046  }
0xb1: {  	s29 =	simm.s32 $0x9;
	_ =	strace $0x80000048  }
0xb2: {  	_ =	swait.ge [sflag:s29], $0x1  }
0xb3: {  	[sflag:s29] =	ssyncadd.s32 $0xFFFFFFFF  }
0xb4: {  	_ =	strace $0x90000048  }
0xb5: {  	_ =	sfence  }
0xb6: {  	s30 =	sld [smem:$0x0];
	_ =	sdelay $0x2  }
0xb7: {  	s31 =	sshll.u32 s1, $0xD;
	s1 =	sshrl.u32 s1, $0x2  }
0xb8: {  	s3 =	sand.u32 $0x4000, s31;
	s1 =	sadd.s32 s1, s30  }
0xb9: {  	s0 =	sor.u32 s3, s0;
	s1 =	sshll.u32 s1, $0x11  }
0xba: {  	s0 =	sor.u32 s1, s0  }
0xbb: {  	s0 =	sadd.s32 $0x8F2B, s0  }
0xbc: {  	[sflag:s0] =	ssyncadd.remote.s32 $0x1  }
0xbd: {  	_ =	sfence.sel $0xFFFF  }
0xbe: {  	[dreg:$0x0] =	wrdreg $0xFFFFFFFF;
	(pc) =	sbr.abs _section_cstart, $3  }
0xbf: {  	[dreg:$0x1] =	wrdreg $0xFFFFFFFF  }
0xc0: {  	_ =	task.clear_ibuf [dreg:s6], $0x2FFFF;
	_ =	strace $0x9FFFFFFF  }
0xc1: {  	(tm) =	ssettm $0x7FFFFFFF  }
tec
execute0_lowered:
.L_overlay_start_1:
0x0: {  	(tag) =	ssettag $0x1  }
0x1: {  	s0 =	srdreg.scid;
	s1 =	stileid.u32  }
0x2: {  	s6 =	rddreg [dreg:$0x0];
	s2 =	simm.s32 $0x0;
	s8 =	simm.s32 $0x2  }
0x3: {  	s18 =	simm.s32 $0x1;
	s20 =	simm.s32 $0x900;
	s21 =	simm.s32 $0x1100  }
0x4: {  	s22 =	simm.s32 $0x1900;
	s23 =	simm.s32 $0x2100;
	s24 =	simm.s32 $0x2900  }
0x5: {  	s28 =	simm.s32 $0x4100;
	s29 =	simm.s32 $0x4900;
	s30 =	simm.s32 $0x5100  }
0x6: {  	s31 =	simm.s32 $0x5900;
	s10 =	simm.s32 $0x7100;
	s11 =	simm.s32 $0x7900  }
0x7: {  	s12 =	simm.s32 $0x8100;
	s13 =	simm.s32 $0x8900;
	s14 =	simm.s32 $0x9100  }
0x8: {  	s15 =	simm.s32 $0x9900;
	s16 =	simm.s32 $0xA100;
	s17 =	simm.s32 $0xA900  }
0x9: {  	s0 =	sand.u32 $0x1, s0;
	s1 =	sshll.u32 s1, $0x1;
	[smem:$0x7FF] =	sst s2  }
0xa: {  	s5 =	sadd.s32 $0x43400, s6;
	s1 =	sor.u32 s0, s1;
	_ =	strace $0x80000047  }
0xb: {  	s0 =	ssub.s32 $0x2, s0;
	s3 =	sshll.u32 s1, $0xE;
	s1 =	sshll.u32 s1, $0x5  }
0xc: {  	s4 =	sshrl.u32 s0, $0x1;
	s3 =	sand.u32 $0x3C000, s3;
	s1 =	sadd.s32 s1, s6  }
0xd: {  	s0 =	ssub.s32 s0, s4;
	s4 =	sadd.s32 $0x43300, s6;
	s7 =	sadd.s32 s3, s6  }
0xe: {  	s3 =	sadd.s32 $0x43200, s6;
	s1 =	sadd.s32 $0x42E00, s1;
	s6 =	sadd.s32 $0x43500, s6  }
0xf: {  	v2 =	vlaneseq.u32;
	[dreg:$0x2] =	wrdreg s1;
	s25 =	sadd.s32 $0x2A00, s7;
	s26 =	sadd.s32 $0x4A00, s7  }
0x10: {  	vm0 =	vmmov $0xffff;
	v1 =	vshrl.u32 v2, $0x3;
	s7 =	smax.u32 s0, $0x1;
	s1 =	simm.s32 $0x6100;
	[dreg:$0x3] =	wrdreg s25  }
0x11: {  	v0 =	vand.u32 $0x7, v2;
	v2 =	vor.u32 $0x8, v2;
	v1 =	vmul.u32 $0x8, v1;
	[dreg:$0x4] =	wrdreg s26;
	s25 =	simm.s32 $0x3100;
	s26 =	simm.s32 $0x3900  }
.LBB2_1:
0x12: {  	s19 =	rddreg [dreg:$0x2]  }
0x13: {  	[tilespmem:s2], [sflag:$0x2] =	stream.linear.gather [hbm4b:s19+s2], $0x100, $0x38;
	[tilespmem:$0x10100] =	vst v63  }
0x14: {  	_ =	swait.ge [sflag:s8], $0x100  }
0x15: {  	[sflag:s8] =	ssyncset.done $0x0  }
0x16: {  	s0 =	simm.s32 $0x100;
	s9 =	rddreg [dreg:$0x3];
	[sflag:s8] =	ssyncadd.s32 $0xFFFFFF00  }
0x17: {  	[tilespmem:s0], [sflag:$0x2] =	stream.linear.gather [hbm4b:s9+s2], $0x10000, $0x38;
	[tilespmem:$0x10100] =	vst v63  }
0x18: {  	_ =	swait.ge [sflag:s8], $0x10000  }
0x19: {  	[sflag:s8] =	ssyncset.done $0x0  }
0x1a: {  	[sflag:s8] =	ssyncadd.s32 $0xFFFF0000  }
0x1b: {  	v3 =	vld [tilespmem:$0x0];
	_ =	sdelay $0x4  }
0x1c: {  	v4 =	vshll.u32 v3, $0x3  }
0x1d: {  	v3 =	vand.u32 $0x7, v3;
	v4 =	vand.u32 $0xFFFFFFC0, v4  }
0x1e: {  	v3 =	vor.u32 v3, v4  }
0x1f: {  	v4 =	vperm.xlane v3, v0;
	_ =	sdelay $0x1  }
0x20: {  	v4 =	vadd.s32 v1, v4;
	_ =	sdelay $0x4  }
0x21: {  	[hbm4b:s3+s2] =	stream.indirect_vreg.scatter [tilespmem:s0], [sflag:$0x1], $0x80, v4, vm0, $0xb8;
	[tilespmem:$0x10100] =	vst v63  }
0x22: {  	v3 =	vperm.xlane v3, v2  }
0x23: {  	[hbm4b:s4+s2] =	stream.indirect_vreg.scatter [tilespmem:s20], [sflag:$0x1], $0x80, v4, vm0, $0xb8;
	[tilespmem:$0x10100] =	vst v63  }
0x24: {  	v3 =	vadd.s32 v1, v3  }
0x25: {  	[hbm4b:s5+s2] =	stream.indirect_vreg.scatter [tilespmem:s21], [sflag:$0x1], $0x80, v4, vm0, $0xb8;
	[tilespmem:$0x10100] =	vst v63  }
0x26: {  	_ = 	snop  }
0x27: {  	[hbm4b:s6+s2] =	stream.indirect_vreg.scatter [tilespmem:s22], [sflag:$0x1], $0x80, v4, vm0, $0xb8;
	[tilespmem:$0x10100] =	vst v63  }
0x28: {  	_ = 	snop  }
0x29: {  	[hbm4b:s3+s2] =	stream.indirect_vreg.scatter [tilespmem:s23], [sflag:$0x1], $0x80, v3, vm0, $0xb8;
	[tilespmem:$0x10100] =	vst v63  }
0x2a: {  	_ = 	snop  }
0x2b: {  	[hbm4b:s4+s2] =	stream.indirect_vreg.scatter [tilespmem:s24], [sflag:$0x1], $0x80, v3, vm0, $0xb8;
	[tilespmem:$0x10100] =	vst v63  }
0x2c: {  	_ = 	snop  }
0x2d: {  	[hbm4b:s5+s2] =	stream.indirect_vreg.scatter [tilespmem:s25], [sflag:$0x1], $0x80, v3, vm0, $0xb8;
	[tilespmem:$0x10100] =	vst v63  }
0x2e: {  	_ = 	snop  }
0x2f: {  	[hbm4b:s6+s2] =	stream.indirect_vreg.scatter [tilespmem:s26], [sflag:$0x1], $0x80, v3, vm0, $0xb8;
	[tilespmem:$0x10100] =	vst v63  }
0x30: {  	v3 =	vld [tilespmem:$0x10];
	_ =	sdelay $0x4  }
0x31: {  	v57 =	vshll.u32 v3, $0x3  }
0x32: {  	v3 =	vand.u32 $0x7, v3;
	v4 =	vand.u32 $0xFFFFFFC0, v57  }
0x33: {  	v3 =	vor.u32 v3, v4  }
0x34: {  	v4 =	vperm.xlane v3, v0;
	_ =	sdelay $0x1  }
0x35: {  	v4 =	vadd.s32 v1, v4;
	_ =	sdelay $0x4  }
0x36: {  	[hbm4b:s3+s2] =	stream.indirect_vreg.scatter [tilespmem:s28], [sflag:$0x1], $0x80, v4, vm0, $0xb8;
	[tilespmem:$0x10100] =	vst v63  }
0x37: {  	v3 =	vperm.xlane v3, v2  }
0x38: {  	[hbm4b:s4+s2] =	stream.indirect_vreg.scatter [tilespmem:s29], [sflag:$0x1], $0x80, v4, vm0, $0xb8;
	[tilespmem:$0x10100] =	vst v63  }
0x39: {  	v3 =	vadd.s32 v1, v3  }
0x3a: {  	[hbm4b:s5+s2] =	stream.indirect_vreg.scatter [tilespmem:s30], [sflag:$0x1], $0x80, v4, vm0, $0xb8;
	[tilespmem:$0x10100] =	vst v63  }
0x3b: {  	_ = 	snop  }
0x3c: {  	[hbm4b:s6+s2] =	stream.indirect_vreg.scatter [tilespmem:s31], [sflag:$0x1], $0x80, v4, vm0, $0xb8;
	[tilespmem:$0x10100] =	vst v63  }
0x3d: {  	_ = 	snop  }
0x3e: {  	[hbm4b:s3+s2] =	stream.indirect_vreg.scatter [tilespmem:s1], [sflag:$0x1], $0x80, v3, vm0, $0xb8;
	[tilespmem:$0x10100] =	vst v63  }
0x3f: {  	s9 =	simm.s32 $0x6900  }
0x40: {  	[hbm4b:s4+s2] =	stream.indirect_vreg.scatter [tilespmem:s9], [sflag:$0x1], $0x80, v3, vm0, $0xb8;
	[tilespmem:$0x10100] =	vst v63  }
0x41: {  	_ = 	snop  }
0x42: {  	[hbm4b:s5+s2] =	stream.indirect_vreg.scatter [tilespmem:s10], [sflag:$0x1], $0x80, v3, vm0, $0xb8;
	[tilespmem:$0x10100] =	vst v63  }
0x43: {  	_ = 	snop  }
0x44: {  	[hbm4b:s6+s2] =	stream.indirect_vreg.scatter [tilespmem:s11], [sflag:$0x1], $0x80, v3, vm0, $0xb8;
	[tilespmem:$0x10100] =	vst v63  }
0x45: {  	v3 =	vld [tilespmem:$0x20];
	_ =	sdelay $0x4  }
0x46: {  	v58 =	vshll.u32 v3, $0x3  }
0x47: {  	v3 =	vand.u32 $0x7, v3;
	v4 =	vand.u32 $0xFFFFFFC0, v58  }
0x48: {  	v3 =	vor.u32 v3, v4  }
0x49: {  	v4 =	vperm.xlane v3, v0;
	_ =	sdelay $0x1  }
0x4a: {  	v4 =	vadd.s32 v1, v4;
	_ =	sdelay $0x4  }
0x4b: {  	[hbm4b:s3+s2] =	stream.indirect_vreg.scatter [tilespmem:s12], [sflag:$0x1], $0x80, v4, vm0, $0xb8;
	[tilespmem:$0x10100] =	vst v63  }
0x4c: {  	v3 =	vperm.xlane v3, v2  }
0x4d: {  	[hbm4b:s4+s2] =	stream.indirect_vreg.scatter [tilespmem:s13], [sflag:$0x1], $0x80, v4, vm0, $0xb8;
	[tilespmem:$0x10100] =	vst v63  }
0x4e: {  	v3 =	vadd.s32 v1, v3  }
0x4f: {  	[hbm4b:s5+s2] =	stream.indirect_vreg.scatter [tilespmem:s14], [sflag:$0x1], $0x80, v4, vm0, $0xb8;
	[tilespmem:$0x10100] =	vst v63  }
0x50: {  	_ = 	snop  }
0x51: {  	[hbm4b:s6+s2] =	stream.indirect_vreg.scatter [tilespmem:s15], [sflag:$0x1], $0x80, v4, vm0, $0xb8;
	[tilespmem:$0x10100] =	vst v63  }
0x52: {  	_ = 	snop  }
0x53: {  	[hbm4b:s3+s2] =	stream.indirect_vreg.scatter [tilespmem:s16], [sflag:$0x1], $0x80, v3, vm0, $0xb8;
	[tilespmem:$0x10100] =	vst v63  }
0x54: {  	_ = 	snop  }
0x55: {  	[hbm4b:s4+s2] =	stream.indirect_vreg.scatter [tilespmem:s17], [sflag:$0x1], $0x80, v3, vm0, $0xb8;
	[tilespmem:$0x10100] =	vst v63  }
0x56: {  	s9 =	simm.s32 $0xB100  }
0x57: {  	[hbm4b:s5+s2] =	stream.indirect_vreg.scatter [tilespmem:s9], [sflag:$0x1], $0x80, v3, vm0, $0xb8;
	[tilespmem:$0x10100] =	vst v63  }
0x58: {  	s19 =	simm.s32 $0xB900  }
0x59: {  	[hbm4b:s6+s2] =	stream.indirect_vreg.scatter [tilespmem:s19], [sflag:$0x1], $0x80, v3, vm0, $0xb8;
	[tilespmem:$0x10100] =	vst v63  }
0x5a: {  	v3 =	vld [tilespmem:$0x30];
	_ =	sdelay $0x4  }
0x5b: {  	v59 =	vshll.u32 v3, $0x3  }
0x5c: {  	v3 =	vand.u32 $0x7, v3;
	v4 =	vand.u32 $0xFFFFFFC0, v59  }
0x5d: {  	v3 =	vor.u32 v3, v4  }
0x5e: {  	v4 =	vperm.xlane v3, v0;
	_ =	sdelay $0x1  }
0x5f: {  	v4 =	vadd.s32 v1, v4;
	_ =	sdelay $0x3  }
0x60: {  	s19 =	simm.s32 $0xC100  }
0x61: {  	[hbm4b:s3+s2] =	stream.indirect_vreg.scatter [tilespmem:s19], [sflag:$0x1], $0x80, v4, vm0, $0xb8;
	[tilespmem:$0x10100] =	vst v63  }
0x62: {  	v3 =	vperm.xlane v3, v2;
	s19 =	simm.s32 $0xC900  }
0x63: {  	[hbm4b:s4+s2] =	stream.indirect_vreg.scatter [tilespmem:s19], [sflag:$0x1], $0x80, v4, vm0, $0xb8;
	[tilespmem:$0x10100] =	vst v63  }
0x64: {  	v3 =	vadd.s32 v1, v3;
	s19 =	simm.s32 $0xD100  }
0x65: {  	[hbm4b:s5+s2] =	stream.indirect_vreg.scatter [tilespmem:s19], [sflag:$0x1], $0x80, v4, vm0, $0xb8;
	[tilespmem:$0x10100] =	vst v63  }
0x66: {  	s19 =	simm.s32 $0xD900  }
0x67: {  	[hbm4b:s6+s2] =	stream.indirect_vreg.scatter [tilespmem:s19], [sflag:$0x1], $0x80, v4, vm0, $0xb8;
	[tilespmem:$0x10100] =	vst v63  }
0x68: {  	s19 =	simm.s32 $0xE100  }
0x69: {  	[hbm4b:s3+s2] =	stream.indirect_vreg.scatter [tilespmem:s19], [sflag:$0x1], $0x80, v3, vm0, $0xb8;
	[tilespmem:$0x10100] =	vst v63  }
0x6a: {  	s19 =	simm.s32 $0xE900  }
0x6b: {  	[hbm4b:s4+s2] =	stream.indirect_vreg.scatter [tilespmem:s19], [sflag:$0x1], $0x80, v3, vm0, $0xb8;
	[tilespmem:$0x10100] =	vst v63  }
0x6c: {  	s19 =	simm.s32 $0xF100  }
0x6d: {  	[hbm4b:s5+s2] =	stream.indirect_vreg.scatter [tilespmem:s19], [sflag:$0x1], $0x80, v3, vm0, $0xb8;
	[tilespmem:$0x10100] =	vst v63  }
0x6e: {  	s19 =	simm.s32 $0xF900  }
0x6f: {  	[hbm4b:s6+s2] =	stream.indirect_vreg.scatter [tilespmem:s19], [sflag:$0x1], $0x80, v3, vm0, $0xb8;
	[tilespmem:$0x10100] =	vst v63  }
0x70: {  	_ =	swait.ge [sflag:s18], $0x10000  }
0x71: {  	[sflag:s18] =	ssyncset.done $0x0  }
0x72: {  	s19 =	rddreg [dreg:$0x4];
	[sflag:s18] =	ssyncadd.s32 $0xFFFF0000  }
0x73: {  	[tilespmem:s0], [sflag:$0x2] =	stream.linear.gather [hbm4b:s19+s2], $0x10000, $0x38;
	[tilespmem:$0x10100] =	vst v63  }
0x74: {  	_ =	swait.ge [sflag:s8], $0x10000  }
0x75: {  	[sflag:s8] =	ssyncset.done $0x0  }
0x76: {  	[sflag:s8] =	ssyncadd.s32 $0xFFFF0000  }
0x77: {  	v3 =	vld [tilespmem:$0x80];
	_ =	sdelay $0x4  }
0x78: {  	v60 =	vshll.u32 v3, $0x3  }
0x79: {  	v3 =	vand.u32 $0x7, v3;
	v4 =	vand.u32 $0xFFFFFFC0, v60  }
0x7a: {  	v3 =	vor.u32 v3, v4  }
0x7b: {  	v4 =	vperm.xlane v3, v0;
	_ =	sdelay $0x1  }
0x7c: {  	v4 =	vadd.s32 v1, v4;
	_ =	sdelay $0x4  }
0x7d: {  	[hbm4b:s3+s2] =	stream.indirect_vreg.scatter [tilespmem:s0], [sflag:$0x1], $0x80, v4, vm0, $0xb8;
	[tilespmem:$0x10100] =	vst v63  }
0x7e: {  	v3 =	vperm.xlane v3, v2  }
0x7f: {  	[hbm4b:s4+s2] =	stream.indirect_vreg.scatter [tilespmem:s20], [sflag:$0x1], $0x80, v4, vm0, $0xb8;
	[tilespmem:$0x10100] =	vst v63  }
0x80: {  	v3 =	vadd.s32 v1, v3  }
0x81: {  	[hbm4b:s5+s2] =	stream.indirect_vreg.scatter [tilespmem:s21], [sflag:$0x1], $0x80, v4, vm0, $0xb8;
	[tilespmem:$0x10100] =	vst v63  }
0x82: {  	_ = 	snop  }
0x83: {  	[hbm4b:s6+s2] =	stream.indirect_vreg.scatter [tilespmem:s22], [sflag:$0x1], $0x80, v4, vm0, $0xb8;
	[tilespmem:$0x10100] =	vst v63  }
0x84: {  	_ = 	snop  }
0x85: {  	[hbm4b:s3+s2] =	stream.indirect_vreg.scatter [tilespmem:s23], [sflag:$0x1], $0x80, v3, vm0, $0xb8;
	[tilespmem:$0x10100] =	vst v63  }
0x86: {  	_ = 	snop  }
0x87: {  	[hbm4b:s4+s2] =	stream.indirect_vreg.scatter [tilespmem:s24], [sflag:$0x1], $0x80, v3, vm0, $0xb8;
	[tilespmem:$0x10100] =	vst v63  }
0x88: {  	_ = 	snop  }
0x89: {  	[hbm4b:s5+s2] =	stream.indirect_vreg.scatter [tilespmem:s25], [sflag:$0x1], $0x80, v3, vm0, $0xb8;
	[tilespmem:$0x10100] =	vst v63  }
0x8a: {  	_ = 	snop  }
0x8b: {  	[hbm4b:s6+s2] =	stream.indirect_vreg.scatter [tilespmem:s26], [sflag:$0x1], $0x80, v3, vm0, $0xb8;
	[tilespmem:$0x10100] =	vst v63  }
0x8c: {  	v3 =	vld [tilespmem:$0x90];
	_ =	sdelay $0x4  }
0x8d: {  	v61 =	vshll.u32 v3, $0x3  }
0x8e: {  	v3 =	vand.u32 $0x7, v3;
	v4 =	vand.u32 $0xFFFFFFC0, v61  }
0x8f: {  	v3 =	vor.u32 v3, v4  }
0x90: {  	v4 =	vperm.xlane v3, v0;
	_ =	sdelay $0x1  }
0x91: {  	v4 =	vadd.s32 v1, v4;
	_ =	sdelay $0x4  }
0x92: {  	[hbm4b:s3+s2] =	stream.indirect_vreg.scatter [tilespmem:s28], [sflag:$0x1], $0x80, v4, vm0, $0xb8;
	[tilespmem:$0x10100] =	vst v63  }
0x93: {  	v3 =	vperm.xlane v3, v2  }
0x94: {  	[hbm4b:s4+s2] =	stream.indirect_vreg.scatter [tilespmem:s29], [sflag:$0x1], $0x80, v4, vm0, $0xb8;
	[tilespmem:$0x10100] =	vst v63  }
0x95: {  	v3 =	vadd.s32 v1, v3  }
0x96: {  	[hbm4b:s5+s2] =	stream.indirect_vreg.scatter [tilespmem:s30], [sflag:$0x1], $0x80, v4, vm0, $0xb8;
	[tilespmem:$0x10100] =	vst v63  }
0x97: {  	_ = 	snop  }
0x98: {  	[hbm4b:s6+s2] =	stream.indirect_vreg.scatter [tilespmem:s31], [sflag:$0x1], $0x80, v4, vm0, $0xb8;
	[tilespmem:$0x10100] =	vst v63  }
0x99: {  	_ = 	snop  }
0x9a: {  	[hbm4b:s3+s2] =	stream.indirect_vreg.scatter [tilespmem:s1], [sflag:$0x1], $0x80, v3, vm0, $0xb8;
	[tilespmem:$0x10100] =	vst v63  }
0x9b: {  	s19 =	simm.s32 $0x6900  }
0x9c: {  	[hbm4b:s4+s2] =	stream.indirect_vreg.scatter [tilespmem:s19], [sflag:$0x1], $0x80, v3, vm0, $0xb8;
	[tilespmem:$0x10100] =	vst v63  }
0x9d: {  	_ = 	snop  }
0x9e: {  	[hbm4b:s5+s2] =	stream.indirect_vreg.scatter [tilespmem:s10], [sflag:$0x1], $0x80, v3, vm0, $0xb8;
	[tilespmem:$0x10100] =	vst v63  }
0x9f: {  	_ = 	snop  }
0xa0: {  	[hbm4b:s6+s2] =	stream.indirect_vreg.scatter [tilespmem:s11], [sflag:$0x1], $0x80, v3, vm0, $0xb8;
	[tilespmem:$0x10100] =	vst v63  }
0xa1: {  	v3 =	vld [tilespmem:$0xA0];
	_ =	sdelay $0x4  }
0xa2: {  	v62 =	vshll.u32 v3, $0x3  }
0xa3: {  	v3 =	vand.u32 $0x7, v3;
	v4 =	vand.u32 $0xFFFFFFC0, v62  }
0xa4: {  	v3 =	vor.u32 v3, v4  }
0xa5: {  	v4 =	vperm.xlane v3, v0;
	_ =	sdelay $0x1  }
0xa6: {  	v4 =	vadd.s32 v1, v4;
	_ =	sdelay $0x4  }
0xa7: {  	[hbm4b:s3+s2] =	stream.indirect_vreg.scatter [tilespmem:s12], [sflag:$0x1], $0x80, v4, vm0, $0xb8;
	[tilespmem:$0x10100] =	vst v63  }
0xa8: {  	v3 =	vperm.xlane v3, v2  }
0xa9: {  	[hbm4b:s4+s2] =	stream.indirect_vreg.scatter [tilespmem:s13], [sflag:$0x1], $0x80, v4, vm0, $0xb8;
	[tilespmem:$0x10100] =	vst v63  }
0xaa: {  	v3 =	vadd.s32 v1, v3  }
0xab: {  	[hbm4b:s5+s2] =	stream.indirect_vreg.scatter [tilespmem:s14], [sflag:$0x1], $0x80, v4, vm0, $0xb8;
	[tilespmem:$0x10100] =	vst v63  }
0xac: {  	_ = 	snop  }
0xad: {  	[hbm4b:s6+s2] =	stream.indirect_vreg.scatter [tilespmem:s15], [sflag:$0x1], $0x80, v4, vm0, $0xb8;
	[tilespmem:$0x10100] =	vst v63  }
0xae: {  	_ = 	snop  }
0xaf: {  	[hbm4b:s3+s2] =	stream.indirect_vreg.scatter [tilespmem:s16], [sflag:$0x1], $0x80, v3, vm0, $0xb8;
	[tilespmem:$0x10100] =	vst v63  }
0xb0: {  	_ = 	snop  }
0xb1: {  	[hbm4b:s4+s2] =	stream.indirect_vreg.scatter [tilespmem:s17], [sflag:$0x1], $0x80, v3, vm0, $0xb8;
	[tilespmem:$0x10100] =	vst v63  }
0xb2: {  	_ = 	snop  }
0xb3: {  	[hbm4b:s5+s2] =	stream.indirect_vreg.scatter [tilespmem:s9], [sflag:$0x1], $0x80, v3, vm0, $0xb8;
	[tilespmem:$0x10100] =	vst v63  }
0xb4: {  	s19 =	simm.s32 $0xB900  }
0xb5: {  	[hbm4b:s6+s2] =	stream.indirect_vreg.scatter [tilespmem:s19], [sflag:$0x1], $0x80, v3, vm0, $0xb8;
	[tilespmem:$0x10100] =	vst v63  }
0xb6: {  	v3 =	vld [tilespmem:$0xB0];
	_ =	sdelay $0x4  }
0xb7: {  	v63 =	vshll.u32 v3, $0x3  }
0xb8: {  	v3 =	vand.u32 $0x7, v3;
	v4 =	vand.u32 $0xFFFFFFC0, v63  }
0xb9: {  	v3 =	vor.u32 v3, v4  }
0xba: {  	v4 =	vperm.xlane v3, v0;
	_ =	sdelay $0x1  }
0xbb: {  	v4 =	vadd.s32 v1, v4;
	_ =	sdelay $0x3  }
0xbc: {  	s9 =	simm.s32 $0xC100  }
0xbd: {  	[hbm4b:s3+s2] =	stream.indirect_vreg.scatter [tilespmem:s9], [sflag:$0x1], $0x80, v4, vm0, $0xb8;
	[tilespmem:$0x10100] =	vst v63  }
0xbe: {  	s19 =	simm.s32 $0xC900;
	v3 =	vperm.xlane v3, v2  }
0xbf: {  	[hbm4b:s4+s2] =	stream.indirect_vreg.scatter [tilespmem:s19], [sflag:$0x1], $0x80, v4, vm0, $0xb8;
	[tilespmem:$0x10100] =	vst v63  }
0xc0: {  	v3 =	vadd.s32 v1, v3;
	s9 =	simm.s32 $0xD100  }
0xc1: {  	[hbm4b:s5+s2] =	stream.indirect_vreg.scatter [tilespmem:s9], [sflag:$0x1], $0x80, v4, vm0, $0xb8;
	[tilespmem:$0x10100] =	vst v63  }
0xc2: {  	s19 =	simm.s32 $0xD900  }
0xc3: {  	[hbm4b:s6+s2] =	stream.indirect_vreg.scatter [tilespmem:s19], [sflag:$0x1], $0x80, v4, vm0, $0xb8;
	[tilespmem:$0x10100] =	vst v63  }
0xc4: {  	s9 =	simm.s32 $0xE100  }
0xc5: {  	[hbm4b:s3+s2] =	stream.indirect_vreg.scatter [tilespmem:s9], [sflag:$0x1], $0x80, v3, vm0, $0xb8;
	[tilespmem:$0x10100] =	vst v63  }
0xc6: {  	s19 =	simm.s32 $0xE900  }
0xc7: {  	[hbm4b:s4+s2] =	stream.indirect_vreg.scatter [tilespmem:s19], [sflag:$0x1], $0x80, v3, vm0, $0xb8;
	[tilespmem:$0x10100] =	vst v63  }
0xc8: {  	p0 =	sne.s32 s7, $0x1;
	s9 =	simm.s32 $0xF100  }
0xc9: {  	[hbm4b:s5+s2] =	stream.indirect_vreg.scatter [tilespmem:s9], [sflag:$0x1], $0x80, v3, vm0, $0xb8;
	[tilespmem:$0x10100] =	vst v63  }
.Ltmp0:
0xca: {  	s19 =	simm.s32 $0xF900;
	(pc) =	sbr.rel @p0 .LBB2_1-.Ltmp0, $4  }
0xcb: {  	[hbm4b:s6+s2] =	stream.indirect_vreg.scatter [tilespmem:s19], [sflag:$0x1], $0x80, v3, vm0, $0xb8;
	[tilespmem:$0x10100] =	vst v63  }
0xcc: {  	_ =	swait.ge [sflag:s18], $0x10000  }
0xcd: {  	[sflag:s18] =	ssyncset.done $0x0  }
0xce: {  	s7 =	sadd.s32 $0xFFFFFFFF, s7;
	[sflag:s18] =	ssyncadd.s32 $0xFFFF0000  }
0xcf: {  	_ =	sfence.sel $0x180000  }
0xd0: {  	[bflag:$0x0] =	sbarrier.arrive $0xFFFF  }
0xd1: {  	_ =	strace $0x90000047  }
0xd2: {  	s0 =	stileid.u32;
	[bflag:$0x2] =	sbarrier.arrive $0xFFFF  }
0xd3: {  	p0 =	sne.s32 s0, $0x0;
	s0 =	rddreg [dreg:$0x1]  }
0xd4: {  	s0 =	sadd.s32 @!p0 $0x100000, s0  }
0xd5: {  	[sflag:s0] =	ssyncadd.tile.s32 @!p0 $0x1;
	_ =	shalt  }
.Lfunc_end2:
_tile_overlayer_lowered:
.L_overlay_start_2:
0xd6: {  	(tag) =	ssettag $0x2  }
0xd7: {  	s0 =	rddreg [dreg:$0x0];
	s2 =	stileid.u32  }
0xd8: {  	s1 =	rddreg [dreg:$0x1];
	p0 =	sne.s32 s2, $0x0  }
0xd9: {  	s3 =	rddreg [dreg:$0x2];
	[bflag:$0x3] =	sbarrier.arrive $0xFFFF;
	s2 =	simm.s32 @!p0 $0x1C02  }
0xda: {  	[timem:s3], [sflag:s2] =	dma.local @!p0 [hbm:s0], s1  }
0xdb: {  	s0 =	simm.s32 @!p0 $0x2  }
0xdc: {  	_ =	swait.ge @!p0 [sflag:s0], s1  }
0xdd: {  	s1 =	ssub.s32 @!p0 $0x0, s1;
	[sflag:s0] =	ssyncset.done @!p0 $0x0  }
0xde: {  	[sflag:s0] =	ssyncadd.s32 @!p0 s1  }
0xdf: {  	[bflag:$0x3] =	sbarrier.arrive $0xFFFF  }
0xe0: {  	_ =	shalt  }

</sc_bundles>
